<compile_context>
chip_gen: v7x
topology: tpu7x:2x2x1
jax: 0.10.2.dev20260603
libtpu: 0.0.44.dev20260713+nightly
codegen_flags: <defaults>
</compile_context>

<pallas_src>
import functools

import jax
import jax.numpy as jnp
from jax import lax
from jax.experimental import pallas as pl
from jax.experimental.pallas import tpu as pltpu
from jax.experimental.pallas import tpu_sc as plsc

_NUM_CCSK = 8
_SEQ = 128
_F = _NUM_CCSK * _SEQ
_NC = 2
_NS = 16
_NW = _NC * _NS
_CH = 16


def _permute_chunk(in_v, out_v):
    pattern = lax.iota(jnp.int32, 16) << 3

    def q_body(q, _):
        r = q >> 3
        jh = q & 7
        rvec = jnp.broadcast_to(r, (16,))
        vs = [
            in_v[r, pl.ds(k * _SEQ + 16 * jh, 16)]
            for k in range(_NUM_CCSK)
        ]
        for k in range(_NUM_CCSK):
            plsc.store_scatter(
                out_v, [rvec, pattern + (jh * _SEQ + k)], vs[k]
            )
        return 0

    lax.fori_loop(0, _CH * _NUM_CCSK, q_body, 0, unroll=2)


def _sc_body(x_hbm, out_hbm, in_a, in_b, out_a, out_b, si_a, si_b, so_a, so_b):
    wid = lax.axis_index("s") * _NC + lax.axis_index("c")
    rows = x_hbm.shape[0]
    n = rows // _CH // _NW
    r_base = wid * n * _CH

    ins = [in_a, in_b]
    outs = [out_a, out_b]
    sem_in = [si_a, si_b]
    sem_out = [so_a, so_b]

    def start_in(i, b):
        r0 = r_base + i * _CH
        pltpu.async_copy(x_hbm.at[pl.ds(r0, _CH)], ins[b], sem_in[b])

    def start_out(i, b):
        r0 = r_base + i * _CH
        pltpu.async_copy(outs[b], out_hbm.at[pl.ds(r0, _CH)], sem_out[b])

    def wait_in(b):
        pltpu.make_async_copy(
            x_hbm.at[pl.ds(0, _CH)], ins[b], sem_in[b]
        ).wait()

    def wait_out(b):
        pltpu.make_async_copy(
            outs[b], out_hbm.at[pl.ds(0, _CH)], sem_out[b]
        ).wait()

    start_in(0, 0)
    start_in(1, 1)
    wait_in(0)
    _permute_chunk(ins[0], outs[0])
    start_out(0, 0)
    start_in(2, 0)
    wait_in(1)
    _permute_chunk(ins[1], outs[1])
    start_out(1, 1)
    start_in(3, 1)

    def pair_body(g, _):
        i0 = 2 * g
        wait_in(0)
        wait_out(0)
        _permute_chunk(ins[0], outs[0])
        start_out(i0, 0)
        start_in(i0 + 2, 0)
        wait_in(1)
        wait_out(1)
        _permute_chunk(ins[1], outs[1])
        start_out(i0 + 1, 1)
        start_in(i0 + 3, 1)
        return 0

    lax.fori_loop(1, n // 2 - 1, pair_body, 0)

    wait_in(0)
    wait_out(0)
    _permute_chunk(ins[0], outs[0])
    start_out(n - 2, 0)
    wait_in(1)
    wait_out(1)
    _permute_chunk(ins[1], outs[1])
    start_out(n - 1, 1)
    wait_out(0)
    wait_out(1)


def kernel(inputs):
    b, t, f = inputs.shape
    xt = jnp.transpose(inputs, (1, 0, 2)).reshape(t * b, f)
    mesh = plsc.VectorSubcoreMesh(core_axis_name="c", subcore_axis_name="s")
    k = functools.partial(
        pl.kernel,
        out_type=jax.ShapeDtypeStruct((t * b, f), jnp.float32),
        mesh=mesh,
        scratch_types=[
            pltpu.VMEM((_CH, f), jnp.float32),
            pltpu.VMEM((_CH, f), jnp.float32),
            pltpu.VMEM((_CH, f), jnp.float32),
            pltpu.VMEM((_CH, f), jnp.float32),
            pltpu.SemaphoreType.DMA,
            pltpu.SemaphoreType.DMA,
            pltpu.SemaphoreType.DMA,
            pltpu.SemaphoreType.DMA,
        ],
        compiler_params=pltpu.CompilerParams(
            needs_layout_passes=False,
            use_tc_tiling_on_sc=True,
            skip_device_barrier=True,
        ),
    )(_sc_body)
    return jnp.transpose(k(xt).reshape(t, b, f), (1, 0, 2))

# --- scband reference (transcript-rebuilt; emitter-appended) ---
"""Pipeline reference for scband-iterative-mapper-39960375722134 (READ-ONLY COPY).

The authoritative reference and input builder live on the scoring server;
editing this copy changes nothing except your own understanding.
"""

import jax, jax.numpy as jnp
import numpy as np

CCSK_SEQUENCE_LENGTH = 128
NUM_CCSK_PER_OFDM_SYMBOL = 8


def setup_inputs(seed: int = 0) -> dict:
    key = jax.random.key(seed)
    inputs = jax.random.normal(
        key, (1024, 14, NUM_CCSK_PER_OFDM_SYMBOL * CCSK_SEQUENCE_LENGTH), dtype=jnp.float32
    )
    return {"inputs": inputs}


def reference(inputs):
    # Constant permutation index built exactly like the Keras layer's __init__
    # (resource_grid=None branch):
    # temp = range(num_ccsk * N); reshape [num_ccsk, N]; transpose; flatten.
    total = NUM_CCSK_PER_OFDM_SYMBOL * CCSK_SEQUENCE_LENGTH
    temp = jnp.arange(total, dtype=jnp.int32)
    mapping_index = jnp.reshape(
        jnp.transpose(
            jnp.reshape(temp, (NUM_CCSK_PER_OFDM_SYMBOL, CCSK_SEQUENCE_LENGTH))
        ),
        (-1,),
    )
    # tf.gather(inputs, indices, axis=-1) -> jnp.take along last axis
    x = jnp.take(inputs, mapping_index, axis=-1)
    return x

if __name__ == "__main__":
    import jax
    _d = setup_inputs()
    print(jax.jit(kernel)(*tuple(_d.values())))

</pallas_src>

<mosaic_0001>
#map = affine_map<(d0, d1) -> (0, 0)>
module attributes {stable_mosaic.version = 14 : i64} {
  func.func @_sc_body(%arg0: i32, %arg1: i32, %arg2: memref<14336x1024xf32, #tpu.memory_space<hbm>>, %arg3: memref<14336x1024xf32, #tpu.memory_space<hbm>>, %arg4: memref<16x1024xf32, #tpu.memory_space<vmem>>, %arg5: memref<16x1024xf32, #tpu.memory_space<vmem>>, %arg6: memref<16x1024xf32, #tpu.memory_space<vmem>>, %arg7: memref<16x1024xf32, #tpu.memory_space<vmem>>, %arg8: memref<!tpu.dma_semaphore, #tpu.memory_space<semaphore_mem>>, %arg9: memref<!tpu.dma_semaphore, #tpu.memory_space<semaphore_mem>>, %arg10: memref<!tpu.dma_semaphore, #tpu.memory_space<semaphore_mem>>, %arg11: memref<!tpu.dma_semaphore, #tpu.memory_space<semaphore_mem>>) attributes {dimension_semantics = [#tpu.dimension_semantics<core_parallel>, #tpu.dimension_semantics<subcore_parallel>], iteration_bounds = array<i64: 2, 16>, scalar_prefetch = 0 : i64, scratch_operands = 8 : i64, tpu.core_type = #tpu.core_type<sc_vector_subcore>, window_params = [{transform_indices = #map}, {transform_indices = #map}]} {
    %mul3A = arith.constant 2 : i32
    %mul3A_0 = arith.muli %arg1, %mul3A : i32
    %add3A = arith.addi %mul3A_0, %arg0 : i32
    %mul3A_1 = arith.constant 28 : i32
    %mul3A_2 = arith.muli %add3A, %mul3A_1 : i32
    %mul3A_3 = arith.constant 16 : i32
    %mul3A_4 = arith.muli %mul3A_2, %mul3A_3 : i32
    %add3A_5 = arith.constant 0 : i32
    %add3A_6 = arith.addi %mul3A_4, %add3A_5 : i32
    %dma_start3A = arith.constant 0 : i32
    %dma_start3A_7 = tpu.memref_slice %arg2[%add3A_6, %dma_start3A] : memref<14336x1024xf32, #tpu.memory_space<hbm>> -> memref<16x1024xf32, #tpu.memory_space<hbm>>
    %dma_start3A_8 = arith.constant 0 : i32
    %dma_start3A_9 = tpu.memref_slice %arg2[%add3A_6, %dma_start3A_8] : memref<14336x1024xf32, #tpu.memory_space<hbm>> -> memref<16x1024xf32, #tpu.memory_space<hbm>>
    tpu.enqueue_dma source(%dma_start3A_9 : memref<16x1024xf32, #tpu.memory_space<hbm>>) target(%arg4 : memref<16x1024xf32, #tpu.memory_space<vmem>>) target_semaphore(%arg8 : memref<!tpu.dma_semaphore, #tpu.memory_space<semaphore_mem>>)
    %add3A_10 = arith.constant 16 : i32
    %add3A_11 = arith.addi %mul3A_4, %add3A_10 : i32
    %dma_start3A_12 = arith.constant 0 : i32
    %dma_start3A_13 = tpu.memref_slice %arg2[%add3A_11, %dma_start3A_12] : memref<14336x1024xf32, #tpu.memory_space<hbm>> -> memref<16x1024xf32, #tpu.memory_space<hbm>>
    %dma_start3A_14 = arith.constant 0 : i32
    %dma_start3A_15 = tpu.memref_slice %arg2[%add3A_11, %dma_start3A_14] : memref<14336x1024xf32, #tpu.memory_space<hbm>> -> memref<16x1024xf32, #tpu.memory_space<hbm>>
    tpu.enqueue_dma source(%dma_start3A_15 : memref<16x1024xf32, #tpu.memory_space<hbm>>) target(%arg5 : memref<16x1024xf32, #tpu.memory_space<vmem>>) target_semaphore(%arg9 : memref<!tpu.dma_semaphore, #tpu.memory_space<semaphore_mem>>)
    %dma_wait3A = arith.constant 0 : i32
    %dma_wait3A_16 = arith.constant 0 : i32
    %dma_wait3A_17 = tpu.memref_slice %arg2[%dma_wait3A, %dma_wait3A_16] : memref<14336x1024xf32, #tpu.memory_space<hbm>> -> memref<16x1024xf32, #tpu.memory_space<hbm>>
    %dma_wait3A_18 = arith.constant 0 : i32
    %dma_wait3A_19 = arith.constant 0 : i32
    %dma_wait3A_20 = tpu.memref_slice %arg2[%dma_wait3A_18, %dma_wait3A_19] : memref<14336x1024xf32, #tpu.memory_space<hbm>> -> memref<16x1024xf32, #tpu.memory_space<hbm>>
    tpu.wait_dma2 semaphore(%arg8 : memref<!tpu.dma_semaphore, #tpu.memory_space<semaphore_mem>>) src(%dma_wait3A_20 : memref<16x1024xf32, #tpu.memory_space<hbm>>) dst(%arg4 : memref<16x1024xf32, #tpu.memory_space<vmem>>)
    %iota3A = tpu.iota {dimensions = array<i32: 0>} : vector<16xi32>
    %shift_left3A = arith.constant 3 : i32
    %shift_left3A_21 = vector.broadcast %shift_left3A : i32 to vector<16xi32>
    %shift_left3A_22 = arith.shli %iota3A, %shift_left3A_21 : vector<16xi32>
    %scan3A = arith.constant 0 : i32
    %scan3A_23 = arith.constant 0 : i32
    %scan3A_24 = arith.constant 128 : i32
    %scan3A_25 = arith.addi %scan3A_23, %scan3A_24 : i32
    %scan3A_26 = arith.constant 2 : i32
    %scan3A_27 = scf.for %scan3A_147 = %scan3A_23 to %scan3A_25 step %scan3A_26 iter_args(%scan3A_148 = %scan3A) -> (i32)  : i32 {
      %shift_right_arithmetic3A = arith.constant 3 : i32
      %shift_right_arithmetic3A_149 = arith.shrsi %scan3A_147, %shift_right_arithmetic3A : i32
      %and3A = arith.constant 7 : i32
      %and3A_150 = arith.andi %scan3A_147, %and3A : i32
      %broadcast_in_dim3A = vector.broadcast %shift_right_arithmetic3A_149 : i32 to vector<16xi32>
      %mul3A_151 = arith.constant 16 : i32
      %mul3A_152 = arith.muli %mul3A_151, %and3A_150 : i32
      %add3A_153 = arith.constant 0 : i32
      %add3A_154 = arith.addi %add3A_153, %mul3A_152 : i32
      %get3A = arith.index_cast %shift_right_arithmetic3A_149 : i32 to index
      %get3A_155 = arith.index_cast %add3A_154 : i32 to index
      %get3A_156 = tpu.vector_load %arg4[%get3A, %get3A_155] {strides = array<i32>} : memref<16x1024xf32, #tpu.memory_space<vmem>>, vector<16xf32>,
      %mul3A_157 = arith.constant 16 : i32
      %mul3A_158 = arith.muli %mul3A_157, %and3A_150 : i32
      %add3A_159 = arith.constant 128 : i32
      %add3A_160 = arith.addi %add3A_159, %mul3A_158 : i32
      %get3A_161 = arith.index_cast %shift_right_arithmetic3A_149 : i32 to index
      %get3A_162 = arith.index_cast %add3A_160 : i32 to index
      %get3A_163 = tpu.vector_load %arg4[%get3A_161, %get3A_162] {strides = array<i32>} : memref<16x1024xf32, #tpu.memory_space<vmem>>, vector<16xf32>,
      %mul3A_164 = arith.constant 16 : i32
      %mul3A_165 = arith.muli %mul3A_164, %and3A_150 : i32
      %add3A_166 = arith.constant 256 : i32
      %add3A_167 = arith.addi %add3A_166, %mul3A_165 : i32
      %get3A_168 = arith.index_cast %shift_right_arithmetic3A_149 : i32 to index
      %get3A_169 = arith.index_cast %add3A_167 : i32 to index
      %get3A_170 = tpu.vector_load %arg4[%get3A_168, %get3A_169] {strides = array<i32>} : memref<16x1024xf32, #tpu.memory_space<vmem>>, vector<16xf32>,
      %mul3A_171 = arith.constant 16 : i32
      %mul3A_172 = arith.muli %mul3A_171, %and3A_150 : i32
      %add3A_173 = arith.constant 384 : i32
      %add3A_174 = arith.addi %add3A_173, %mul3A_172 : i32
      %get3A_175 = arith.index_cast %shift_right_arithmetic3A_149 : i32 to index
      %get3A_176 = arith.index_cast %add3A_174 : i32 to index
      %get3A_177 = tpu.vector_load %arg4[%get3A_175, %get3A_176] {strides = array<i32>} : memref<16x1024xf32, #tpu.memory_space<vmem>>, vector<16xf32>,
      %mul3A_178 = arith.constant 16 : i32
      %mul3A_179 = arith.muli %mul3A_178, %and3A_150 : i32
      %add3A_180 = arith.constant 512 : i32
      %add3A_181 = arith.addi %add3A_180, %mul3A_179 : i32
      %get3A_182 = arith.index_cast %shift_right_arithmetic3A_149 : i32 to index
      %get3A_183 = arith.index_cast %add3A_181 : i32 to index
      %get3A_184 = tpu.vector_load %arg4[%get3A_182, %get3A_183] {strides = array<i32>} : memref<16x1024xf32, #tpu.memory_space<vmem>>, vector<16xf32>,
      %mul3A_185 = arith.constant 16 : i32
      %mul3A_186 = arith.muli %mul3A_185, %and3A_150 : i32
      %add3A_187 = arith.constant 640 : i32
      %add3A_188 = arith.addi %add3A_187, %mul3A_186 : i32
      %get3A_189 = arith.index_cast %shift_right_arithmetic3A_149 : i32 to index
      %get3A_190 = arith.index_cast %add3A_188 : i32 to index
      %get3A_191 = tpu.vector_load %arg4[%get3A_189, %get3A_190] {strides = array<i32>} : memref<16x1024xf32, #tpu.memory_space<vmem>>, vector<16xf32>,
      %mul3A_192 = arith.constant 16 : i32
      %mul3A_193 = arith.muli %mul3A_192, %and3A_150 : i32
      %add3A_194 = arith.constant 768 : i32
      %add3A_195 = arith.addi %add3A_194, %mul3A_193 : i32
      %get3A_196 = arith.index_cast %shift_right_arithmetic3A_149 : i32 to index
      %get3A_197 = arith.index_cast %add3A_195 : i32 to index
      %get3A_198 = tpu.vector_load %arg4[%get3A_196, %get3A_197] {strides = array<i32>} : memref<16x1024xf32, #tpu.memory_space<vmem>>, vector<16xf32>,
      %mul3A_199 = arith.constant 16 : i32
      %mul3A_200 = arith.muli %mul3A_199, %and3A_150 : i32
      %add3A_201 = arith.constant 896 : i32
      %add3A_202 = arith.addi %add3A_201, %mul3A_200 : i32
      %get3A_203 = arith.index_cast %shift_right_arithmetic3A_149 : i32 to index
      %get3A_204 = arith.index_cast %add3A_202 : i32 to index
      %get3A_205 = tpu.vector_load %arg4[%get3A_203, %get3A_204] {strides = array<i32>} : memref<16x1024xf32, #tpu.memory_space<vmem>>, vector<16xf32>,
      %mul3A_206 = arith.constant 128 : i32
      %mul3A_207 = arith.muli %and3A_150, %mul3A_206 : i32
      %add3A_208 = arith.constant 0 : i32
      %add3A_209 = arith.addi %mul3A_207, %add3A_208 : i32
      %add3A_210 = vector.broadcast %add3A_209 : i32 to vector<16xi32>
      %add3A_211 = arith.addi %shift_left3A_22, %add3A_210 : vector<16xi32>
      tpu.vector_store_idx %arg6[%broadcast_in_dim3A, %add3A_211], %get3A_156 : memref<16x1024xf32, #tpu.memory_space<vmem>>[vector<16xi32>, vector<16xi32>], vector<16xf32>,
      %mul3A_212 = arith.constant 128 : i32
      %mul3A_213 = arith.muli %and3A_150, %mul3A_212 : i32
      %add3A_214 = arith.constant 1 : i32
      %add3A_215 = arith.addi %mul3A_213, %add3A_214 : i32
      %add3A_216 = vector.broadcast %add3A_215 : i32 to vector<16xi32>
      %add3A_217 = arith.addi %shift_left3A_22, %add3A_216 : vector<16xi32>
      tpu.vector_store_idx %arg6[%broadcast_in_dim3A, %add3A_217], %get3A_163 : memref<16x1024xf32, #tpu.memory_space<vmem>>[vector<16xi32>, vector<16xi32>], vector<16xf32>,
      %mul3A_218 = arith.constant 128 : i32
      %mul3A_219 = arith.muli %and3A_150, %mul3A_218 : i32
      %add3A_220 = arith.constant 2 : i32
      %add3A_221 = arith.addi %mul3A_219, %add3A_220 : i32
      %add3A_222 = vector.broadcast %add3A_221 : i32 to vector<16xi32>
      %add3A_223 = arith.addi %shift_left3A_22, %add3A_222 : vector<16xi32>
      tpu.vector_store_idx %arg6[%broadcast_in_dim3A, %add3A_223], %get3A_170 : memref<16x1024xf32, #tpu.memory_space<vmem>>[vector<16xi32>, vector<16xi32>], vector<16xf32>,
      %mul3A_224 = arith.constant 128 : i32
      %mul3A_225 = arith.muli %and3A_150, %mul3A_224 : i32
      %add3A_226 = arith.constant 3 : i32
      %add3A_227 = arith.addi %mul3A_225, %add3A_226 : i32
      %add3A_228 = vector.broadcast %add3A_227 : i32 to vector<16xi32>
      %add3A_229 = arith.addi %shift_left3A_22, %add3A_228 : vector<16xi32>
      tpu.vector_store_idx %arg6[%broadcast_in_dim3A, %add3A_229], %get3A_177 : memref<16x1024xf32, #tpu.memory_space<vmem>>[vector<16xi32>, vector<16xi32>], vector<16xf32>,
      %mul3A_230 = arith.constant 128 : i32
      %mul3A_231 = arith.muli %and3A_150, %mul3A_230 : i32
      %add3A_232 = arith.constant 4 : i32
      %add3A_233 = arith.addi %mul3A_231, %add3A_232 : i32
      %add3A_234 = vector.broadcast %add3A_233 : i32 to vector<16xi32>
      %add3A_235 = arith.addi %shift_left3A_22, %add3A_234 : vector<16xi32>
      tpu.vector_store_idx %arg6[%broadcast_in_dim3A, %add3A_235], %get3A_184 : memref<16x1024xf32, #tpu.memory_space<vmem>>[vector<16xi32>, vector<16xi32>], vector<16xf32>,
      %mul3A_236 = arith.constant 128 : i32
      %mul3A_237 = arith.muli %and3A_150, %mul3A_236 : i32
      %add3A_238 = arith.constant 5 : i32
      %add3A_239 = arith.addi %mul3A_237, %add3A_238 : i32
      %add3A_240 = vector.broadcast %add3A_239 : i32 to vector<16xi32>
      %add3A_241 = arith.addi %shift_left3A_22, %add3A_240 : vector<16xi32>
      tpu.vector_store_idx %arg6[%broadcast_in_dim3A, %add3A_241], %get3A_191 : memref<16x1024xf32, #tpu.memory_space<vmem>>[vector<16xi32>, vector<16xi32>], vector<16xf32>,
      %mul3A_242 = arith.constant 128 : i32
      %mul3A_243 = arith.muli %and3A_150, %mul3A_242 : i32
      %add3A_244 = arith.constant 6 : i32
      %add3A_245 = arith.addi %mul3A_243, %add3A_244 : i32
      %add3A_246 = vector.broadcast %add3A_245 : i32 to vector<16xi32>
      %add3A_247 = arith.addi %shift_left3A_22, %add3A_246 : vector<16xi32>
      tpu.vector_store_idx %arg6[%broadcast_in_dim3A, %add3A_247], %get3A_198 : memref<16x1024xf32, #tpu.memory_space<vmem>>[vector<16xi32>, vector<16xi32>], vector<16xf32>,
      %mul3A_248 = arith.constant 128 : i32
      %mul3A_249 = arith.muli %and3A_150, %mul3A_248 : i32
      %add3A_250 = arith.constant 7 : i32
      %add3A_251 = arith.addi %mul3A_249, %add3A_250 : i32
      %add3A_252 = vector.broadcast %add3A_251 : i32 to vector<16xi32>
      %add3A_253 = arith.addi %shift_left3A_22, %add3A_252 : vector<16xi32>
      tpu.vector_store_idx %arg6[%broadcast_in_dim3A, %add3A_253], %get3A_205 : memref<16x1024xf32, #tpu.memory_space<vmem>>[vector<16xi32>, vector<16xi32>], vector<16xf32>,
      %scan3A_254 = arith.constant 0 : i32
      %scan3A_255 = arith.constant 1 : i32
      %scan3A_256 = arith.addi %scan3A_147, %scan3A_255 : i32
      %shift_right_arithmetic3A_257 = arith.constant 3 : i32
      %shift_right_arithmetic3A_258 = arith.shrsi %scan3A_256, %shift_right_arithmetic3A_257 : i32
      %and3A_259 = arith.constant 7 : i32
      %and3A_260 = arith.andi %scan3A_256, %and3A_259 : i32
      %broadcast_in_dim3A_261 = vector.broadcast %shift_right_arithmetic3A_258 : i32 to vector<16xi32>
      %mul3A_262 = arith.constant 16 : i32
      %mul3A_263 = arith.muli %mul3A_262, %and3A_260 : i32
      %add3A_264 = arith.constant 0 : i32
      %add3A_265 = arith.addi %add3A_264, %mul3A_263 : i32
      %get3A_266 = arith.index_cast %shift_right_arithmetic3A_258 : i32 to index
      %get3A_267 = arith.index_cast %add3A_265 : i32 to index
      %get3A_268 = tpu.vector_load %arg4[%get3A_266, %get3A_267] {strides = array<i32>} : memref<16x1024xf32, #tpu.memory_space<vmem>>, vector<16xf32>,
      %mul3A_269 = arith.constant 16 : i32
      %mul3A_270 = arith.muli %mul3A_269, %and3A_260 : i32
      %add3A_271 = arith.constant 128 : i32
      %add3A_272 = arith.addi %add3A_271, %mul3A_270 : i32
      %get3A_273 = arith.index_cast %shift_right_arithmetic3A_258 : i32 to index
      %get3A_274 = arith.index_cast %add3A_272 : i32 to index
      %get3A_275 = tpu.vector_load %arg4[%get3A_273, %get3A_274] {strides = array<i32>} : memref<16x1024xf32, #tpu.memory_space<vmem>>, vector<16xf32>,
      %mul3A_276 = arith.constant 16 : i32
      %mul3A_277 = arith.muli %mul3A_276, %and3A_260 : i32
      %add3A_278 = arith.constant 256 : i32
      %add3A_279 = arith.addi %add3A_278, %mul3A_277 : i32
      %get3A_280 = arith.index_cast %shift_right_arithmetic3A_258 : i32 to index
      %get3A_281 = arith.index_cast %add3A_279 : i32 to index
      %get3A_282 = tpu.vector_load %arg4[%get3A_280, %get3A_281] {strides = array<i32>} : memref<16x1024xf32, #tpu.memory_space<vmem>>, vector<16xf32>,
      %mul3A_283 = arith.constant 16 : i32
      %mul3A_284 = arith.muli %mul3A_283, %and3A_260 : i32
      %add3A_285 = arith.constant 384 : i32
      %add3A_286 = arith.addi %add3A_285, %mul3A_284 : i32
      %get3A_287 = arith.index_cast %shift_right_arithmetic3A_258 : i32 to index
      %get3A_288 = arith.index_cast %add3A_286 : i32 to index
      %get3A_289 = tpu.vector_load %arg4[%get3A_287, %get3A_288] {strides = array<i32>} : memref<16x1024xf32, #tpu.memory_space<vmem>>, vector<16xf32>,
      %mul3A_290 = arith.constant 16 : i32
      %mul3A_291 = arith.muli %mul3A_290, %and3A_260 : i32
      %add3A_292 = arith.constant 512 : i32
      %add3A_293 = arith.addi %add3A_292, %mul3A_291 : i32
      %get3A_294 = arith.index_cast %shift_right_arithmetic3A_258 : i32 to index
      %get3A_295 = arith.index_cast %add3A_293 : i32 to index
      %get3A_296 = tpu.vector_load %arg4[%get3A_294, %get3A_295] {strides = array<i32>} : memref<16x1024xf32, #tpu.memory_space<vmem>>, vector<16xf32>,
      %mul3A_297 = arith.constant 16 : i32
      %mul3A_298 = arith.muli %mul3A_297, %and3A_260 : i32
      %add3A_299 = arith.constant 640 : i32
      %add3A_300 = arith.addi %add3A_299, %mul3A_298 : i32
      %get3A_301 = arith.index_cast %shift_right_arithmetic3A_258 : i32 to index
      %get3A_302 = arith.index_cast %add3A_300 : i32 to index
      %get3A_303 = tpu.vector_load %arg4[%get3A_301, %get3A_302] {strides = array<i32>} : memref<16x1024xf32, #tpu.memory_space<vmem>>, vector<16xf32>,
      %mul3A_304 = arith.constant 16 : i32
      %mul3A_305 = arith.muli %mul3A_304, %and3A_260 : i32
      %add3A_306 = arith.constant 768 : i32
      %add3A_307 = arith.addi %add3A_306, %mul3A_305 : i32
      %get3A_308 = arith.index_cast %shift_right_arithmetic3A_258 : i32 to index
      %get3A_309 = arith.index_cast %add3A_307 : i32 to index
      %get3A_310 = tpu.vector_load %arg4[%get3A_308, %get3A_309] {strides = array<i32>} : memref<16x1024xf32, #tpu.memory_space<vmem>>, vector<16xf32>,
      %mul3A_311 = arith.constant 16 : i32
      %mul3A_312 = arith.muli %mul3A_311, %and3A_260 : i32
      %add3A_313 = arith.constant 896 : i32
      %add3A_314 = arith.addi %add3A_313, %mul3A_312 : i32
      %get3A_315 = arith.index_cast %shift_right_arithmetic3A_258 : i32 to index
      %get3A_316 = arith.index_cast %add3A_314 : i32 to index
      %get3A_317 = tpu.vector_load %arg4[%get3A_315, %get3A_316] {strides = array<i32>} : memref<16x1024xf32, #tpu.memory_space<vmem>>, vector<16xf32>,
      %mul3A_318 = arith.constant 128 : i32
      %mul3A_319 = arith.muli %and3A_260, %mul3A_318 : i32
      %add3A_320 = arith.constant 0 : i32
      %add3A_321 = arith.addi %mul3A_319, %add3A_320 : i32
      %add3A_322 = vector.broadcast %add3A_321 : i32 to vector<16xi32>
      %add3A_323 = arith.addi %shift_left3A_22, %add3A_322 : vector<16xi32>
      tpu.vector_store_idx %arg6[%broadcast_in_dim3A_261, %add3A_323], %get3A_268 : memref<16x1024xf32, #tpu.memory_space<vmem>>[vector<16xi32>, vector<16xi32>], vector<16xf32>,
      %mul3A_324 = arith.constant 128 : i32
      %mul3A_325 = arith.muli %and3A_260, %mul3A_324 : i32
      %add3A_326 = arith.constant 1 : i32
      %add3A_327 = arith.addi %mul3A_325, %add3A_326 : i32
      %add3A_328 = vector.broadcast %add3A_327 : i32 to vector<16xi32>
      %add3A_329 = arith.addi %shift_left3A_22, %add3A_328 : vector<16xi32>
      tpu.vector_store_idx %arg6[%broadcast_in_dim3A_261, %add3A_329], %get3A_275 : memref<16x1024xf32, #tpu.memory_space<vmem>>[vector<16xi32>, vector<16xi32>], vector<16xf32>,
      %mul3A_330 = arith.constant 128 : i32
      %mul3A_331 = arith.muli %and3A_260, %mul3A_330 : i32
      %add3A_332 = arith.constant 2 : i32
      %add3A_333 = arith.addi %mul3A_331, %add3A_332 : i32
      %add3A_334 = vector.broadcast %add3A_333 : i32 to vector<16xi32>
      %add3A_335 = arith.addi %shift_left3A_22, %add3A_334 : vector<16xi32>
      tpu.vector_store_idx %arg6[%broadcast_in_dim3A_261, %add3A_335], %get3A_282 : memref<16x1024xf32, #tpu.memory_space<vmem>>[vector<16xi32>, vector<16xi32>], vector<16xf32>,
      %mul3A_336 = arith.constant 128 : i32
      %mul3A_337 = arith.muli %and3A_260, %mul3A_336 : i32
      %add3A_338 = arith.constant 3 : i32
      %add3A_339 = arith.addi %mul3A_337, %add3A_338 : i32
      %add3A_340 = vector.broadcast %add3A_339 : i32 to vector<16xi32>
      %add3A_341 = arith.addi %shift_left3A_22, %add3A_340 : vector<16xi32>
      tpu.vector_store_idx %arg6[%broadcast_in_dim3A_261, %add3A_341], %get3A_289 : memref<16x1024xf32, #tpu.memory_space<vmem>>[vector<16xi32>, vector<16xi32>], vector<16xf32>,
      %mul3A_342 = arith.constant 128 : i32
      %mul3A_343 = arith.muli %and3A_260, %mul3A_342 : i32
      %add3A_344 = arith.constant 4 : i32
      %add3A_345 = arith.addi %mul3A_343, %add3A_344 : i32
      %add3A_346 = vector.broadcast %add3A_345 : i32 to vector<16xi32>
      %add3A_347 = arith.addi %shift_left3A_22, %add3A_346 : vector<16xi32>
      tpu.vector_store_idx %arg6[%broadcast_in_dim3A_261, %add3A_347], %get3A_296 : memref<16x1024xf32, #tpu.memory_space<vmem>>[vector<16xi32>, vector<16xi32>], vector<16xf32>,
      %mul3A_348 = arith.constant 128 : i32
      %mul3A_349 = arith.muli %and3A_260, %mul3A_348 : i32
      %add3A_350 = arith.constant 5 : i32
      %add3A_351 = arith.addi %mul3A_349, %add3A_350 : i32
      %add3A_352 = vector.broadcast %add3A_351 : i32 to vector<16xi32>
      %add3A_353 = arith.addi %shift_left3A_22, %add3A_352 : vector<16xi32>
      tpu.vector_store_idx %arg6[%broadcast_in_dim3A_261, %add3A_353], %get3A_303 : memref<16x1024xf32, #tpu.memory_space<vmem>>[vector<16xi32>, vector<16xi32>], vector<16xf32>,
      %mul3A_354 = arith.constant 128 : i32
      %mul3A_355 = arith.muli %and3A_260, %mul3A_354 : i32
      %add3A_356 = arith.constant 6 : i32
      %add3A_357 = arith.addi %mul3A_355, %add3A_356 : i32
      %add3A_358 = vector.broadcast %add3A_357 : i32 to vector<16xi32>
      %add3A_359 = arith.addi %shift_left3A_22, %add3A_358 : vector<16xi32>
      tpu.vector_store_idx %arg6[%broadcast_in_dim3A_261, %add3A_359], %get3A_310 : memref<16x1024xf32, #tpu.memory_space<vmem>>[vector<16xi32>, vector<16xi32>], vector<16xf32>,
      %mul3A_360 = arith.constant 128 : i32
      %mul3A_361 = arith.muli %and3A_260, %mul3A_360 : i32
      %add3A_362 = arith.constant 7 : i32
      %add3A_363 = arith.addi %mul3A_361, %add3A_362 : i32
      %add3A_364 = vector.broadcast %add3A_363 : i32 to vector<16xi32>
      %add3A_365 = arith.addi %shift_left3A_22, %add3A_364 : vector<16xi32>
      tpu.vector_store_idx %arg6[%broadcast_in_dim3A_261, %add3A_365], %get3A_317 : memref<16x1024xf32, #tpu.memory_space<vmem>>[vector<16xi32>, vector<16xi32>], vector<16xf32>,
      %scan3A_366 = arith.constant 0 : i32
      scf.yield %scan3A_366 : i32
    }
    %scan3A_28 = arith.constant 128 : i32
    %add3A_29 = arith.constant 0 : i32
    %add3A_30 = arith.addi %mul3A_4, %add3A_29 : i32
    %dma_start3A_31 = arith.constant 0 : i32
    %dma_start3A_32 = tpu.memref_slice %arg3[%add3A_30, %dma_start3A_31] : memref<14336x1024xf32, #tpu.memory_space<hbm>> -> memref<16x1024xf32, #tpu.memory_space<hbm>>
    %dma_start3A_33 = arith.constant 0 : i32
    %dma_start3A_34 = tpu.memref_slice %arg3[%add3A_30, %dma_start3A_33] : memref<14336x1024xf32, #tpu.memory_space<hbm>> -> memref<16x1024xf32, #tpu.memory_space<hbm>>
    tpu.enqueue_dma source(%arg6 : memref<16x1024xf32, #tpu.memory_space<vmem>>) target(%dma_start3A_34 : memref<16x1024xf32, #tpu.memory_space<hbm>>) target_semaphore(%arg10 : memref<!tpu.dma_semaphore, #tpu.memory_space<semaphore_mem>>)
    %add3A_35 = arith.constant 32 : i32
    %add3A_36 = arith.addi %mul3A_4, %add3A_35 : i32
    %dma_start3A_37 = arith.constant 0 : i32
    %dma_start3A_38 = tpu.memref_slice %arg2[%add3A_36, %dma_start3A_37] : memref<14336x1024xf32, #tpu.memory_space<hbm>> -> memref<16x1024xf32, #tpu.memory_space<hbm>>
    %dma_start3A_39 = arith.constant 0 : i32
    %dma_start3A_40 = tpu.memref_slice %arg2[%add3A_36, %dma_start3A_39] : memref<14336x1024xf32, #tpu.memory_space<hbm>> -> memref<16x1024xf32, #tpu.memory_space<hbm>>
    tpu.enqueue_dma source(%dma_start3A_40 : memref<16x1024xf32, #tpu.memory_space<hbm>>) target(%arg4 : memref<16x1024xf32, #tpu.memory_space<vmem>>) target_semaphore(%arg8 : memref<!tpu.dma_semaphore, #tpu.memory_space<semaphore_mem>>)
    %dma_wait3A_41 = arith.constant 0 : i32
    %dma_wait3A_42 = arith.constant 0 : i32
    %dma_wait3A_43 = tpu.memref_slice %arg2[%dma_wait3A_41, %dma_wait3A_42] : memref<14336x1024xf32, #tpu.memory_space<hbm>> -> memref<16x1024xf32, #tpu.memory_space<hbm>>
    %dma_wait3A_44 = arith.constant 0 : i32
    %dma_wait3A_45 = arith.constant 0 : i32
    %dma_wait3A_46 = tpu.memref_slice %arg2[%dma_wait3A_44, %dma_wait3A_45] : memref<14336x1024xf32, #tpu.memory_space<hbm>> -> memref<16x1024xf32, #tpu.memory_space<hbm>>
    tpu.wait_dma2 semaphore(%arg9 : memref<!tpu.dma_semaphore, #tpu.memory_space<semaphore_mem>>) src(%dma_wait3A_46 : memref<16x1024xf32, #tpu.memory_space<hbm>>) dst(%arg5 : memref<16x1024xf32, #tpu.memory_space<vmem>>)
    %iota3A_47 = tpu.iota {dimensions = array<i32: 0>} : vector<16xi32>
    %shift_left3A_48 = arith.constant 3 : i32
    %shift_left3A_49 = vector.broadcast %shift_left3A_48 : i32 to vector<16xi32>
    %shift_left3A_50 = arith.shli %iota3A_47, %shift_left3A_49 : vector<16xi32>
    %scan3A_51 = arith.constant 0 : i32
    %scan3A_52 = arith.constant 0 : i32
    %scan3A_53 = arith.constant 128 : i32
    %scan3A_54 = arith.addi %scan3A_52, %scan3A_53 : i32
    %scan3A_55 = arith.constant 2 : i32
    %scan3A_56 = scf.for %scan3A_147 = %scan3A_52 to %scan3A_54 step %scan3A_55 iter_args(%scan3A_148 = %scan3A_51) -> (i32)  : i32 {
      %shift_right_arithmetic3A = arith.constant 3 : i32
      %shift_right_arithmetic3A_149 = arith.shrsi %scan3A_147, %shift_right_arithmetic3A : i32
      %and3A = arith.constant 7 : i32
      %and3A_150 = arith.andi %scan3A_147, %and3A : i32
      %broadcast_in_dim3A = vector.broadcast %shift_right_arithmetic3A_149 : i32 to vector<16xi32>
      %mul3A_151 = arith.constant 16 : i32
      %mul3A_152 = arith.muli %mul3A_151, %and3A_150 : i32
      %add3A_153 = arith.constant 0 : i32
      %add3A_154 = arith.addi %add3A_153, %mul3A_152 : i32
      %get3A = arith.index_cast %shift_right_arithmetic3A_149 : i32 to index
      %get3A_155 = arith.index_cast %add3A_154 : i32 to index
      %get3A_156 = tpu.vector_load %arg5[%get3A, %get3A_155] {strides = array<i32>} : memref<16x1024xf32, #tpu.memory_space<vmem>>, vector<16xf32>,
      %mul3A_157 = arith.constant 16 : i32
      %mul3A_158 = arith.muli %mul3A_157, %and3A_150 : i32
      %add3A_159 = arith.constant 128 : i32
      %add3A_160 = arith.addi %add3A_159, %mul3A_158 : i32
      %get3A_161 = arith.index_cast %shift_right_arithmetic3A_149 : i32 to index
      %get3A_162 = arith.index_cast %add3A_160 : i32 to index
      %get3A_163 = tpu.vector_load %arg5[%get3A_161, %get3A_162] {strides = array<i32>} : memref<16x1024xf32, #tpu.memory_space<vmem>>, vector<16xf32>,
      %mul3A_164 = arith.constant 16 : i32
      %mul3A_165 = arith.muli %mul3A_164, %and3A_150 : i32
      %add3A_166 = arith.constant 256 : i32
      %add3A_167 = arith.addi %add3A_166, %mul3A_165 : i32
      %get3A_168 = arith.index_cast %shift_right_arithmetic3A_149 : i32 to index
      %get3A_169 = arith.index_cast %add3A_167 : i32 to index
      %get3A_170 = tpu.vector_load %arg5[%get3A_168, %get3A_169] {strides = array<i32>} : memref<16x1024xf32, #tpu.memory_space<vmem>>, vector<16xf32>,
      %mul3A_171 = arith.constant 16 : i32
      %mul3A_172 = arith.muli %mul3A_171, %and3A_150 : i32
      %add3A_173 = arith.constant 384 : i32
      %add3A_174 = arith.addi %add3A_173, %mul3A_172 : i32
      %get3A_175 = arith.index_cast %shift_right_arithmetic3A_149 : i32 to index
      %get3A_176 = arith.index_cast %add3A_174 : i32 to index
      %get3A_177 = tpu.vector_load %arg5[%get3A_175, %get3A_176] {strides = array<i32>} : memref<16x1024xf32, #tpu.memory_space<vmem>>, vector<16xf32>,
      %mul3A_178 = arith.constant 16 : i32
      %mul3A_179 = arith.muli %mul3A_178, %and3A_150 : i32
      %add3A_180 = arith.constant 512 : i32
      %add3A_181 = arith.addi %add3A_180, %mul3A_179 : i32
      %get3A_182 = arith.index_cast %shift_right_arithmetic3A_149 : i32 to index
      %get3A_183 = arith.index_cast %add3A_181 : i32 to index
      %get3A_184 = tpu.vector_load %arg5[%get3A_182, %get3A_183] {strides = array<i32>} : memref<16x1024xf32, #tpu.memory_space<vmem>>, vector<16xf32>,
      %mul3A_185 = arith.constant 16 : i32
      %mul3A_186 = arith.muli %mul3A_185, %and3A_150 : i32
      %add3A_187 = arith.constant 640 : i32
      %add3A_188 = arith.addi %add3A_187, %mul3A_186 : i32
      %get3A_189 = arith.index_cast %shift_right_arithmetic3A_149 : i32 to index
      %get3A_190 = arith.index_cast %add3A_188 : i32 to index
      %get3A_191 = tpu.vector_load %arg5[%get3A_189, %get3A_190] {strides = array<i32>} : memref<16x1024xf32, #tpu.memory_space<vmem>>, vector<16xf32>,
      %mul3A_192 = arith.constant 16 : i32
      %mul3A_193 = arith.muli %mul3A_192, %and3A_150 : i32
      %add3A_194 = arith.constant 768 : i32
      %add3A_195 = arith.addi %add3A_194, %mul3A_193 : i32
      %get3A_196 = arith.index_cast %shift_right_arithmetic3A_149 : i32 to index
      %get3A_197 = arith.index_cast %add3A_195 : i32 to index
      %get3A_198 = tpu.vector_load %arg5[%get3A_196, %get3A_197] {strides = array<i32>} : memref<16x1024xf32, #tpu.memory_space<vmem>>, vector<16xf32>,
      %mul3A_199 = arith.constant 16 : i32
      %mul3A_200 = arith.muli %mul3A_199, %and3A_150 : i32
      %add3A_201 = arith.constant 896 : i32
      %add3A_202 = arith.addi %add3A_201, %mul3A_200 : i32
      %get3A_203 = arith.index_cast %shift_right_arithmetic3A_149 : i32 to index
      %get3A_204 = arith.index_cast %add3A_202 : i32 to index
      %get3A_205 = tpu.vector_load %arg5[%get3A_203, %get3A_204] {strides = array<i32>} : memref<16x1024xf32, #tpu.memory_space<vmem>>, vector<16xf32>,
      %mul3A_206 = arith.constant 128 : i32
      %mul3A_207 = arith.muli %and3A_150, %mul3A_206 : i32
      %add3A_208 = arith.constant 0 : i32
      %add3A_209 = arith.addi %mul3A_207, %add3A_208 : i32
      %add3A_210 = vector.broadcast %add3A_209 : i32 to vector<16xi32>
      %add3A_211 = arith.addi %shift_left3A_50, %add3A_210 : vector<16xi32>
      tpu.vector_store_idx %arg7[%broadcast_in_dim3A, %add3A_211], %get3A_156 : memref<16x1024xf32, #tpu.memory_space<vmem>>[vector<16xi32>, vector<16xi32>], vector<16xf32>,
      %mul3A_212 = arith.constant 128 : i32
      %mul3A_213 = arith.muli %and3A_150, %mul3A_212 : i32
      %add3A_214 = arith.constant 1 : i32
      %add3A_215 = arith.addi %mul3A_213, %add3A_214 : i32
      %add3A_216 = vector.broadcast %add3A_215 : i32 to vector<16xi32>
      %add3A_217 = arith.addi %shift_left3A_50, %add3A_216 : vector<16xi32>
      tpu.vector_store_idx %arg7[%broadcast_in_dim3A, %add3A_217], %get3A_163 : memref<16x1024xf32, #tpu.memory_space<vmem>>[vector<16xi32>, vector<16xi32>], vector<16xf32>,
      %mul3A_218 = arith.constant 128 : i32
      %mul3A_219 = arith.muli %and3A_150, %mul3A_218 : i32
      %add3A_220 = arith.constant 2 : i32
      %add3A_221 = arith.addi %mul3A_219, %add3A_220 : i32
      %add3A_222 = vector.broadcast %add3A_221 : i32 to vector<16xi32>
      %add3A_223 = arith.addi %shift_left3A_50, %add3A_222 : vector<16xi32>
      tpu.vector_store_idx %arg7[%broadcast_in_dim3A, %add3A_223], %get3A_170 : memref<16x1024xf32, #tpu.memory_space<vmem>>[vector<16xi32>, vector<16xi32>], vector<16xf32>,
      %mul3A_224 = arith.constant 128 : i32
      %mul3A_225 = arith.muli %and3A_150, %mul3A_224 : i32
      %add3A_226 = arith.constant 3 : i32
      %add3A_227 = arith.addi %mul3A_225, %add3A_226 : i32
      %add3A_228 = vector.broadcast %add3A_227 : i32 to vector<16xi32>
      %add3A_229 = arith.addi %shift_left3A_50, %add3A_228 : vector<16xi32>
      tpu.vector_store_idx %arg7[%broadcast_in_dim3A, %add3A_229], %get3A_177 : memref<16x1024xf32, #tpu.memory_space<vmem>>[vector<16xi32>, vector<16xi32>], vector<16xf32>,
      %mul3A_230 = arith.constant 128 : i32
      %mul3A_231 = arith.muli %and3A_150, %mul3A_230 : i32
      %add3A_232 = arith.constant 4 : i32
      %add3A_233 = arith.addi %mul3A_231, %add3A_232 : i32
      %add3A_234 = vector.broadcast %add3A_233 : i32 to vector<16xi32>
      %add3A_235 = arith.addi %shift_left3A_50, %add3A_234 : vector<16xi32>
      tpu.vector_store_idx %arg7[%broadcast_in_dim3A, %add3A_235], %get3A_184 : memref<16x1024xf32, #tpu.memory_space<vmem>>[vector<16xi32>, vector<16xi32>], vector<16xf32>,
      %mul3A_236 = arith.constant 128 : i32
      %mul3A_237 = arith.muli %and3A_150, %mul3A_236 : i32
      %add3A_238 = arith.constant 5 : i32
      %add3A_239 = arith.addi %mul3A_237, %add3A_238 : i32
      %add3A_240 = vector.broadcast %add3A_239 : i32 to vector<16xi32>
      %add3A_241 = arith.addi %shift_left3A_50, %add3A_240 : vector<16xi32>
      tpu.vector_store_idx %arg7[%broadcast_in_dim3A, %add3A_241], %get3A_191 : memref<16x1024xf32, #tpu.memory_space<vmem>>[vector<16xi32>, vector<16xi32>], vector<16xf32>,
      %mul3A_242 = arith.constant 128 : i32
      %mul3A_243 = arith.muli %and3A_150, %mul3A_242 : i32
      %add3A_244 = arith.constant 6 : i32
      %add3A_245 = arith.addi %mul3A_243, %add3A_244 : i32
      %add3A_246 = vector.broadcast %add3A_245 : i32 to vector<16xi32>
      %add3A_247 = arith.addi %shift_left3A_50, %add3A_246 : vector<16xi32>
      tpu.vector_store_idx %arg7[%broadcast_in_dim3A, %add3A_247], %get3A_198 : memref<16x1024xf32, #tpu.memory_space<vmem>>[vector<16xi32>, vector<16xi32>], vector<16xf32>,
      %mul3A_248 = arith.constant 128 : i32
      %mul3A_249 = arith.muli %and3A_150, %mul3A_248 : i32
      %add3A_250 = arith.constant 7 : i32
      %add3A_251 = arith.addi %mul3A_249, %add3A_250 : i32
      %add3A_252 = vector.broadcast %add3A_251 : i32 to vector<16xi32>
      %add3A_253 = arith.addi %shift_left3A_50, %add3A_252 : vector<16xi32>
      tpu.vector_store_idx %arg7[%broadcast_in_dim3A, %add3A_253], %get3A_205 : memref<16x1024xf32, #tpu.memory_space<vmem>>[vector<16xi32>, vector<16xi32>], vector<16xf32>,
      %scan3A_254 = arith.constant 0 : i32
      %scan3A_255 = arith.constant 1 : i32
      %scan3A_256 = arith.addi %scan3A_147, %scan3A_255 : i32
      %shift_right_arithmetic3A_257 = arith.constant 3 : i32
      %shift_right_arithmetic3A_258 = arith.shrsi %scan3A_256, %shift_right_arithmetic3A_257 : i32
      %and3A_259 = arith.constant 7 : i32
      %and3A_260 = arith.andi %scan3A_256, %and3A_259 : i32
      %broadcast_in_dim3A_261 = vector.broadcast %shift_right_arithmetic3A_258 : i32 to vector<16xi32>
      %mul3A_262 = arith.constant 16 : i32
      %mul3A_263 = arith.muli %mul3A_262, %and3A_260 : i32
      %add3A_264 = arith.constant 0 : i32
      %add3A_265 = arith.addi %add3A_264, %mul3A_263 : i32
      %get3A_266 = arith.index_cast %shift_right_arithmetic3A_258 : i32 to index
      %get3A_267 = arith.index_cast %add3A_265 : i32 to index
      %get3A_268 = tpu.vector_load %arg5[%get3A_266, %get3A_267] {strides = array<i32>} : memref<16x1024xf32, #tpu.memory_space<vmem>>, vector<16xf32>,
      %mul3A_269 = arith.constant 16 : i32
      %mul3A_270 = arith.muli %mul3A_269, %and3A_260 : i32
      %add3A_271 = arith.constant 128 : i32
      %add3A_272 = arith.addi %add3A_271, %mul3A_270 : i32
      %get3A_273 = arith.index_cast %shift_right_arithmetic3A_258 : i32 to index
      %get3A_274 = arith.index_cast %add3A_272 : i32 to index
      %get3A_275 = tpu.vector_load %arg5[%get3A_273, %get3A_274] {strides = array<i32>} : memref<16x1024xf32, #tpu.memory_space<vmem>>, vector<16xf32>,
      %mul3A_276 = arith.constant 16 : i32
      %mul3A_277 = arith.muli %mul3A_276, %and3A_260 : i32
      %add3A_278 = arith.constant 256 : i32
      %add3A_279 = arith.addi %add3A_278, %mul3A_277 : i32
      %get3A_280 = arith.index_cast %shift_right_arithmetic3A_258 : i32 to index
      %get3A_281 = arith.index_cast %add3A_279 : i32 to index
      %get3A_282 = tpu.vector_load %arg5[%get3A_280, %get3A_281] {strides = array<i32>} : memref<16x1024xf32, #tpu.memory_space<vmem>>, vector<16xf32>,
      %mul3A_283 = arith.constant 16 : i32
      %mul3A_284 = arith.muli %mul3A_283, %and3A_260 : i32
      %add3A_285 = arith.constant 384 : i32
      %add3A_286 = arith.addi %add3A_285, %mul3A_284 : i32
      %get3A_287 = arith.index_cast %shift_right_arithmetic3A_258 : i32 to index
      %get3A_288 = arith.index_cast %add3A_286 : i32 to index
      %get3A_289 = tpu.vector_load %arg5[%get3A_287, %get3A_288] {strides = array<i32>} : memref<16x1024xf32, #tpu.memory_space<vmem>>, vector<16xf32>,
      %mul3A_290 = arith.constant 16 : i32
      %mul3A_291 = arith.muli %mul3A_290, %and3A_260 : i32
      %add3A_292 = arith.constant 512 : i32
      %add3A_293 = arith.addi %add3A_292, %mul3A_291 : i32
      %get3A_294 = arith.index_cast %shift_right_arithmetic3A_258 : i32 to index
      %get3A_295 = arith.index_cast %add3A_293 : i32 to index
      %get3A_296 = tpu.vector_load %arg5[%get3A_294, %get3A_295] {strides = array<i32>} : memref<16x1024xf32, #tpu.memory_space<vmem>>, vector<16xf32>,
      %mul3A_297 = arith.constant 16 : i32
      %mul3A_298 = arith.muli %mul3A_297, %and3A_260 : i32
      %add3A_299 = arith.constant 640 : i32
      %add3A_300 = arith.addi %add3A_299, %mul3A_298 : i32
      %get3A_301 = arith.index_cast %shift_right_arithmetic3A_258 : i32 to index
      %get3A_302 = arith.index_cast %add3A_300 : i32 to index
      %get3A_303 = tpu.vector_load %arg5[%get3A_301, %get3A_302] {strides = array<i32>} : memref<16x1024xf32, #tpu.memory_space<vmem>>, vector<16xf32>,
      %mul3A_304 = arith.constant 16 : i32
      %mul3A_305 = arith.muli %mul3A_304, %and3A_260 : i32
      %add3A_306 = arith.constant 768 : i32
      %add3A_307 = arith.addi %add3A_306, %mul3A_305 : i32
      %get3A_308 = arith.index_cast %shift_right_arithmetic3A_258 : i32 to index
      %get3A_309 = arith.index_cast %add3A_307 : i32 to index
      %get3A_310 = tpu.vector_load %arg5[%get3A_308, %get3A_309] {strides = array<i32>} : memref<16x1024xf32, #tpu.memory_space<vmem>>, vector<16xf32>,
      %mul3A_311 = arith.constant 16 : i32
      %mul3A_312 = arith.muli %mul3A_311, %and3A_260 : i32
      %add3A_313 = arith.constant 896 : i32
      %add3A_314 = arith.addi %add3A_313, %mul3A_312 : i32
      %get3A_315 = arith.index_cast %shift_right_arithmetic3A_258 : i32 to index
      %get3A_316 = arith.index_cast %add3A_314 : i32 to index
      %get3A_317 = tpu.vector_load %arg5[%get3A_315, %get3A_316] {strides = array<i32>} : memref<16x1024xf32, #tpu.memory_space<vmem>>, vector<16xf32>,
      %mul3A_318 = arith.constant 128 : i32
      %mul3A_319 = arith.muli %and3A_260, %mul3A_318 : i32
      %add3A_320 = arith.constant 0 : i32
      %add3A_321 = arith.addi %mul3A_319, %add3A_320 : i32
      %add3A_322 = vector.broadcast %add3A_321 : i32 to vector<16xi32>
      %add3A_323 = arith.addi %shift_left3A_50, %add3A_322 : vector<16xi32>
      tpu.vector_store_idx %arg7[%broadcast_in_dim3A_261, %add3A_323], %get3A_268 : memref<16x1024xf32, #tpu.memory_space<vmem>>[vector<16xi32>, vector<16xi32>], vector<16xf32>,
      %mul3A_324 = arith.constant 128 : i32
      %mul3A_325 = arith.muli %and3A_260, %mul3A_324 : i32
      %add3A_326 = arith.constant 1 : i32
      %add3A_327 = arith.addi %mul3A_325, %add3A_326 : i32
      %add3A_328 = vector.broadcast %add3A_327 : i32 to vector<16xi32>
      %add3A_329 = arith.addi %shift_left3A_50, %add3A_328 : vector<16xi32>
      tpu.vector_store_idx %arg7[%broadcast_in_dim3A_261, %add3A_329], %get3A_275 : memref<16x1024xf32, #tpu.memory_space<vmem>>[vector<16xi32>, vector<16xi32>], vector<16xf32>,
      %mul3A_330 = arith.constant 128 : i32
      %mul3A_331 = arith.muli %and3A_260, %mul3A_330 : i32
      %add3A_332 = arith.constant 2 : i32
      %add3A_333 = arith.addi %mul3A_331, %add3A_332 : i32
      %add3A_334 = vector.broadcast %add3A_333 : i32 to vector<16xi32>
      %add3A_335 = arith.addi %shift_left3A_50, %add3A_334 : vector<16xi32>
      tpu.vector_store_idx %arg7[%broadcast_in_dim3A_261, %add3A_335], %get3A_282 : memref<16x1024xf32, #tpu.memory_space<vmem>>[vector<16xi32>, vector<16xi32>], vector<16xf32>,
      %mul3A_336 = arith.constant 128 : i32
      %mul3A_337 = arith.muli %and3A_260, %mul3A_336 : i32
      %add3A_338 = arith.constant 3 : i32
      %add3A_339 = arith.addi %mul3A_337, %add3A_338 : i32
      %add3A_340 = vector.broadcast %add3A_339 : i32 to vector<16xi32>
      %add3A_341 = arith.addi %shift_left3A_50, %add3A_340 : vector<16xi32>
      tpu.vector_store_idx %arg7[%broadcast_in_dim3A_261, %add3A_341], %get3A_289 : memref<16x1024xf32, #tpu.memory_space<vmem>>[vector<16xi32>, vector<16xi32>], vector<16xf32>,
      %mul3A_342 = arith.constant 128 : i32
      %mul3A_343 = arith.muli %and3A_260, %mul3A_342 : i32
      %add3A_344 = arith.constant 4 : i32
      %add3A_345 = arith.addi %mul3A_343, %add3A_344 : i32
      %add3A_346 = vector.broadcast %add3A_345 : i32 to vector<16xi32>
      %add3A_347 = arith.addi %shift_left3A_50, %add3A_346 : vector<16xi32>
      tpu.vector_store_idx %arg7[%broadcast_in_dim3A_261, %add3A_347], %get3A_296 : memref<16x1024xf32, #tpu.memory_space<vmem>>[vector<16xi32>, vector<16xi32>], vector<16xf32>,
      %mul3A_348 = arith.constant 128 : i32
      %mul3A_349 = arith.muli %and3A_260, %mul3A_348 : i32
      %add3A_350 = arith.constant 5 : i32
      %add3A_351 = arith.addi %mul3A_349, %add3A_350 : i32
      %add3A_352 = vector.broadcast %add3A_351 : i32 to vector<16xi32>
      %add3A_353 = arith.addi %shift_left3A_50, %add3A_352 : vector<16xi32>
      tpu.vector_store_idx %arg7[%broadcast_in_dim3A_261, %add3A_353], %get3A_303 : memref<16x1024xf32, #tpu.memory_space<vmem>>[vector<16xi32>, vector<16xi32>], vector<16xf32>,
      %mul3A_354 = arith.constant 128 : i32
      %mul3A_355 = arith.muli %and3A_260, %mul3A_354 : i32
      %add3A_356 = arith.constant 6 : i32
      %add3A_357 = arith.addi %mul3A_355, %add3A_356 : i32
      %add3A_358 = vector.broadcast %add3A_357 : i32 to vector<16xi32>
      %add3A_359 = arith.addi %shift_left3A_50, %add3A_358 : vector<16xi32>
      tpu.vector_store_idx %arg7[%broadcast_in_dim3A_261, %add3A_359], %get3A_310 : memref<16x1024xf32, #tpu.memory_space<vmem>>[vector<16xi32>, vector<16xi32>], vector<16xf32>,
      %mul3A_360 = arith.constant 128 : i32
      %mul3A_361 = arith.muli %and3A_260, %mul3A_360 : i32
      %add3A_362 = arith.constant 7 : i32
      %add3A_363 = arith.addi %mul3A_361, %add3A_362 : i32
      %add3A_364 = vector.broadcast %add3A_363 : i32 to vector<16xi32>
      %add3A_365 = arith.addi %shift_left3A_50, %add3A_364 : vector<16xi32>
      tpu.vector_store_idx %arg7[%broadcast_in_dim3A_261, %add3A_365], %get3A_317 : memref<16x1024xf32, #tpu.memory_space<vmem>>[vector<16xi32>, vector<16xi32>], vector<16xf32>,
      %scan3A_366 = arith.constant 0 : i32
      scf.yield %scan3A_366 : i32
    }
    %scan3A_57 = arith.constant 128 : i32
    %add3A_58 = arith.constant 16 : i32
    %add3A_59 = arith.addi %mul3A_4, %add3A_58 : i32
    %dma_start3A_60 = arith.constant 0 : i32
    %dma_start3A_61 = tpu.memref_slice %arg3[%add3A_59, %dma_start3A_60] : memref<14336x1024xf32, #tpu.memory_space<hbm>> -> memref<16x1024xf32, #tpu.memory_space<hbm>>
    %dma_start3A_62 = arith.constant 0 : i32
    %dma_start3A_63 = tpu.memref_slice %arg3[%add3A_59, %dma_start3A_62] : memref<14336x1024xf32, #tpu.memory_space<hbm>> -> memref<16x1024xf32, #tpu.memory_space<hbm>>
    tpu.enqueue_dma source(%arg7 : memref<16x1024xf32, #tpu.memory_space<vmem>>) target(%dma_start3A_63 : memref<16x1024xf32, #tpu.memory_space<hbm>>) target_semaphore(%arg11 : memref<!tpu.dma_semaphore, #tpu.memory_space<semaphore_mem>>)
    %add3A_64 = arith.constant 48 : i32
    %add3A_65 = arith.addi %mul3A_4, %add3A_64 : i32
    %dma_start3A_66 = arith.constant 0 : i32
    %dma_start3A_67 = tpu.memref_slice %arg2[%add3A_65, %dma_start3A_66] : memref<14336x1024xf32, #tpu.memory_space<hbm>> -> memref<16x1024xf32, #tpu.memory_space<hbm>>
    %dma_start3A_68 = arith.constant 0 : i32
    %dma_start3A_69 = tpu.memref_slice %arg2[%add3A_65, %dma_start3A_68] : memref<14336x1024xf32, #tpu.memory_space<hbm>> -> memref<16x1024xf32, #tpu.memory_space<hbm>>
    tpu.enqueue_dma source(%dma_start3A_69 : memref<16x1024xf32, #tpu.memory_space<hbm>>) target(%arg5 : memref<16x1024xf32, #tpu.memory_space<vmem>>) target_semaphore(%arg9 : memref<!tpu.dma_semaphore, #tpu.memory_space<semaphore_mem>>)
    %scan3A_70 = arith.constant 0 : i32
    %scan3A_71 = arith.constant 1 : i32
    %scan3A_72 = arith.constant 12 : i32
    %scan3A_73 = arith.addi %scan3A_71, %scan3A_72 : i32
    %scan3A_74 = arith.constant 1 : i32
    %scan3A_75 = scf.for %scan3A_147 = %scan3A_71 to %scan3A_73 step %scan3A_74 iter_args(%scan3A_148 = %scan3A_70) -> (i32)  : i32 {
      %mul3A_149 = arith.constant 2 : i32
      %mul3A_150 = arith.muli %mul3A_149, %scan3A_147 : i32
      %dma_wait3A_151 = arith.constant 0 : i32
      %dma_wait3A_152 = arith.constant 0 : i32
      %dma_wait3A_153 = tpu.memref_slice %arg2[%dma_wait3A_151, %dma_wait3A_152] : memref<14336x1024xf32, #tpu.memory_space<hbm>> -> memref<16x1024xf32, #tpu.memory_space<hbm>>
      %dma_wait3A_154 = arith.constant 0 : i32
      %dma_wait3A_155 = arith.constant 0 : i32
      %dma_wait3A_156 = tpu.memref_slice %arg2[%dma_wait3A_154, %dma_wait3A_155] : memref<14336x1024xf32, #tpu.memory_space<hbm>> -> memref<16x1024xf32, #tpu.memory_space<hbm>>
      tpu.wait_dma2 semaphore(%arg8 : memref<!tpu.dma_semaphore, #tpu.memory_space<semaphore_mem>>) src(%dma_wait3A_156 : memref<16x1024xf32, #tpu.memory_space<hbm>>) dst(%arg4 : memref<16x1024xf32, #tpu.memory_space<vmem>>)
      %dma_wait3A_157 = arith.constant 0 : i32
      %dma_wait3A_158 = arith.constant 0 : i32
      %dma_wait3A_159 = tpu.memref_slice %arg3[%dma_wait3A_157, %dma_wait3A_158] : memref<14336x1024xf32, #tpu.memory_space<hbm>> -> memref<16x1024xf32, #tpu.memory_space<hbm>>
      %dma_wait3A_160 = arith.constant 0 : i32
      %dma_wait3A_161 = arith.constant 0 : i32
      %dma_wait3A_162 = tpu.memref_slice %arg3[%dma_wait3A_160, %dma_wait3A_161] : memref<14336x1024xf32, #tpu.memory_space<hbm>> -> memref<16x1024xf32, #tpu.memory_space<hbm>>
      tpu.wait_dma2 semaphore(%arg10 : memref<!tpu.dma_semaphore, #tpu.memory_space<semaphore_mem>>) src(%arg6 : memref<16x1024xf32, #tpu.memory_space<vmem>>) dst(%dma_wait3A_162 : memref<16x1024xf32, #tpu.memory_space<hbm>>)
      %iota3A_163 = tpu.iota {dimensions = array<i32: 0>} : vector<16xi32>
      %shift_left3A_164 = arith.constant 3 : i32
      %shift_left3A_165 = vector.broadcast %shift_left3A_164 : i32 to vector<16xi32>
      %shift_left3A_166 = arith.shli %iota3A_163, %shift_left3A_165 : vector<16xi32>
      %scan3A_167 = arith.constant 0 : i32
      %scan3A_168 = arith.constant 0 : i32
      %scan3A_169 = arith.constant 128 : i32
      %scan3A_170 = arith.addi %scan3A_168, %scan3A_169 : i32
      %scan3A_171 = arith.constant 2 : i32
      %scan3A_172 = scf.for %scan3A_232 = %scan3A_168 to %scan3A_170 step %scan3A_171 iter_args(%scan3A_233 = %scan3A_167) -> (i32)  : i32 {
        %shift_right_arithmetic3A = arith.constant 3 : i32
        %shift_right_arithmetic3A_234 = arith.shrsi %scan3A_232, %shift_right_arithmetic3A : i32
        %and3A = arith.constant 7 : i32
        %and3A_235 = arith.andi %scan3A_232, %and3A : i32
        %broadcast_in_dim3A = vector.broadcast %shift_right_arithmetic3A_234 : i32 to vector<16xi32>
        %mul3A_236 = arith.constant 16 : i32
        %mul3A_237 = arith.muli %mul3A_236, %and3A_235 : i32
        %add3A_238 = arith.constant 0 : i32
        %add3A_239 = arith.addi %add3A_238, %mul3A_237 : i32
        %get3A = arith.index_cast %shift_right_arithmetic3A_234 : i32 to index
        %get3A_240 = arith.index_cast %add3A_239 : i32 to index
        %get3A_241 = tpu.vector_load %arg4[%get3A, %get3A_240] {strides = array<i32>} : memref<16x1024xf32, #tpu.memory_space<vmem>>, vector<16xf32>,
        %mul3A_242 = arith.constant 16 : i32
        %mul3A_243 = arith.muli %mul3A_242, %and3A_235 : i32
        %add3A_244 = arith.constant 128 : i32
        %add3A_245 = arith.addi %add3A_244, %mul3A_243 : i32
        %get3A_246 = arith.index_cast %shift_right_arithmetic3A_234 : i32 to index
        %get3A_247 = arith.index_cast %add3A_245 : i32 to index
        %get3A_248 = tpu.vector_load %arg4[%get3A_246, %get3A_247] {strides = array<i32>} : memref<16x1024xf32, #tpu.memory_space<vmem>>, vector<16xf32>,
        %mul3A_249 = arith.constant 16 : i32
        %mul3A_250 = arith.muli %mul3A_249, %and3A_235 : i32
        %add3A_251 = arith.constant 256 : i32
        %add3A_252 = arith.addi %add3A_251, %mul3A_250 : i32
        %get3A_253 = arith.index_cast %shift_right_arithmetic3A_234 : i32 to index
        %get3A_254 = arith.index_cast %add3A_252 : i32 to index
        %get3A_255 = tpu.vector_load %arg4[%get3A_253, %get3A_254] {strides = array<i32>} : memref<16x1024xf32, #tpu.memory_space<vmem>>, vector<16xf32>,
        %mul3A_256 = arith.constant 16 : i32
        %mul3A_257 = arith.muli %mul3A_256, %and3A_235 : i32
        %add3A_258 = arith.constant 384 : i32
        %add3A_259 = arith.addi %add3A_258, %mul3A_257 : i32
        %get3A_260 = arith.index_cast %shift_right_arithmetic3A_234 : i32 to index
        %get3A_261 = arith.index_cast %add3A_259 : i32 to index
        %get3A_262 = tpu.vector_load %arg4[%get3A_260, %get3A_261] {strides = array<i32>} : memref<16x1024xf32, #tpu.memory_space<vmem>>, vector<16xf32>,
        %mul3A_263 = arith.constant 16 : i32
        %mul3A_264 = arith.muli %mul3A_263, %and3A_235 : i32
        %add3A_265 = arith.constant 512 : i32
        %add3A_266 = arith.addi %add3A_265, %mul3A_264 : i32
        %get3A_267 = arith.index_cast %shift_right_arithmetic3A_234 : i32 to index
        %get3A_268 = arith.index_cast %add3A_266 : i32 to index
        %get3A_269 = tpu.vector_load %arg4[%get3A_267, %get3A_268] {strides = array<i32>} : memref<16x1024xf32, #tpu.memory_space<vmem>>, vector<16xf32>,
        %mul3A_270 = arith.constant 16 : i32
        %mul3A_271 = arith.muli %mul3A_270, %and3A_235 : i32
        %add3A_272 = arith.constant 640 : i32
        %add3A_273 = arith.addi %add3A_272, %mul3A_271 : i32
        %get3A_274 = arith.index_cast %shift_right_arithmetic3A_234 : i32 to index
        %get3A_275 = arith.index_cast %add3A_273 : i32 to index
        %get3A_276 = tpu.vector_load %arg4[%get3A_274, %get3A_275] {strides = array<i32>} : memref<16x1024xf32, #tpu.memory_space<vmem>>, vector<16xf32>,
        %mul3A_277 = arith.constant 16 : i32
        %mul3A_278 = arith.muli %mul3A_277, %and3A_235 : i32
        %add3A_279 = arith.constant 768 : i32
        %add3A_280 = arith.addi %add3A_279, %mul3A_278 : i32
        %get3A_281 = arith.index_cast %shift_right_arithmetic3A_234 : i32 to index
        %get3A_282 = arith.index_cast %add3A_280 : i32 to index
        %get3A_283 = tpu.vector_load %arg4[%get3A_281, %get3A_282] {strides = array<i32>} : memref<16x1024xf32, #tpu.memory_space<vmem>>, vector<16xf32>,
        %mul3A_284 = arith.constant 16 : i32
        %mul3A_285 = arith.muli %mul3A_284, %and3A_235 : i32
        %add3A_286 = arith.constant 896 : i32
        %add3A_287 = arith.addi %add3A_286, %mul3A_285 : i32
        %get3A_288 = arith.index_cast %shift_right_arithmetic3A_234 : i32 to index
        %get3A_289 = arith.index_cast %add3A_287 : i32 to index
        %get3A_290 = tpu.vector_load %arg4[%get3A_288, %get3A_289] {strides = array<i32>} : memref<16x1024xf32, #tpu.memory_space<vmem>>, vector<16xf32>,
        %mul3A_291 = arith.constant 128 : i32
        %mul3A_292 = arith.muli %and3A_235, %mul3A_291 : i32
        %add3A_293 = arith.constant 0 : i32
        %add3A_294 = arith.addi %mul3A_292, %add3A_293 : i32
        %add3A_295 = vector.broadcast %add3A_294 : i32 to vector<16xi32>
        %add3A_296 = arith.addi %shift_left3A_166, %add3A_295 : vector<16xi32>
        tpu.vector_store_idx %arg6[%broadcast_in_dim3A, %add3A_296], %get3A_241 : memref<16x1024xf32, #tpu.memory_space<vmem>>[vector<16xi32>, vector<16xi32>], vector<16xf32>,
        %mul3A_297 = arith.constant 128 : i32
        %mul3A_298 = arith.muli %and3A_235, %mul3A_297 : i32
        %add3A_299 = arith.constant 1 : i32
        %add3A_300 = arith.addi %mul3A_298, %add3A_299 : i32
        %add3A_301 = vector.broadcast %add3A_300 : i32 to vector<16xi32>
        %add3A_302 = arith.addi %shift_left3A_166, %add3A_301 : vector<16xi32>
        tpu.vector_store_idx %arg6[%broadcast_in_dim3A, %add3A_302], %get3A_248 : memref<16x1024xf32, #tpu.memory_space<vmem>>[vector<16xi32>, vector<16xi32>], vector<16xf32>,
        %mul3A_303 = arith.constant 128 : i32
        %mul3A_304 = arith.muli %and3A_235, %mul3A_303 : i32
        %add3A_305 = arith.constant 2 : i32
        %add3A_306 = arith.addi %mul3A_304, %add3A_305 : i32
        %add3A_307 = vector.broadcast %add3A_306 : i32 to vector<16xi32>
        %add3A_308 = arith.addi %shift_left3A_166, %add3A_307 : vector<16xi32>
        tpu.vector_store_idx %arg6[%broadcast_in_dim3A, %add3A_308], %get3A_255 : memref<16x1024xf32, #tpu.memory_space<vmem>>[vector<16xi32>, vector<16xi32>], vector<16xf32>,
        %mul3A_309 = arith.constant 128 : i32
        %mul3A_310 = arith.muli %and3A_235, %mul3A_309 : i32
        %add3A_311 = arith.constant 3 : i32
        %add3A_312 = arith.addi %mul3A_310, %add3A_311 : i32
        %add3A_313 = vector.broadcast %add3A_312 : i32 to vector<16xi32>
        %add3A_314 = arith.addi %shift_left3A_166, %add3A_313 : vector<16xi32>
        tpu.vector_store_idx %arg6[%broadcast_in_dim3A, %add3A_314], %get3A_262 : memref<16x1024xf32, #tpu.memory_space<vmem>>[vector<16xi32>, vector<16xi32>], vector<16xf32>,
        %mul3A_315 = arith.constant 128 : i32
        %mul3A_316 = arith.muli %and3A_235, %mul3A_315 : i32
        %add3A_317 = arith.constant 4 : i32
        %add3A_318 = arith.addi %mul3A_316, %add3A_317 : i32
        %add3A_319 = vector.broadcast %add3A_318 : i32 to vector<16xi32>
        %add3A_320 = arith.addi %shift_left3A_166, %add3A_319 : vector<16xi32>
        tpu.vector_store_idx %arg6[%broadcast_in_dim3A, %add3A_320], %get3A_269 : memref<16x1024xf32, #tpu.memory_space<vmem>>[vector<16xi32>, vector<16xi32>], vector<16xf32>,
        %mul3A_321 = arith.constant 128 : i32
        %mul3A_322 = arith.muli %and3A_235, %mul3A_321 : i32
        %add3A_323 = arith.constant 5 : i32
        %add3A_324 = arith.addi %mul3A_322, %add3A_323 : i32
        %add3A_325 = vector.broadcast %add3A_324 : i32 to vector<16xi32>
        %add3A_326 = arith.addi %shift_left3A_166, %add3A_325 : vector<16xi32>
        tpu.vector_store_idx %arg6[%broadcast_in_dim3A, %add3A_326], %get3A_276 : memref<16x1024xf32, #tpu.memory_space<vmem>>[vector<16xi32>, vector<16xi32>], vector<16xf32>,
        %mul3A_327 = arith.constant 128 : i32
        %mul3A_328 = arith.muli %and3A_235, %mul3A_327 : i32
        %add3A_329 = arith.constant 6 : i32
        %add3A_330 = arith.addi %mul3A_328, %add3A_329 : i32
        %add3A_331 = vector.broadcast %add3A_330 : i32 to vector<16xi32>
        %add3A_332 = arith.addi %shift_left3A_166, %add3A_331 : vector<16xi32>
        tpu.vector_store_idx %arg6[%broadcast_in_dim3A, %add3A_332], %get3A_283 : memref<16x1024xf32, #tpu.memory_space<vmem>>[vector<16xi32>, vector<16xi32>], vector<16xf32>,
        %mul3A_333 = arith.constant 128 : i32
        %mul3A_334 = arith.muli %and3A_235, %mul3A_333 : i32
        %add3A_335 = arith.constant 7 : i32
        %add3A_336 = arith.addi %mul3A_334, %add3A_335 : i32
        %add3A_337 = vector.broadcast %add3A_336 : i32 to vector<16xi32>
        %add3A_338 = arith.addi %shift_left3A_166, %add3A_337 : vector<16xi32>
        tpu.vector_store_idx %arg6[%broadcast_in_dim3A, %add3A_338], %get3A_290 : memref<16x1024xf32, #tpu.memory_space<vmem>>[vector<16xi32>, vector<16xi32>], vector<16xf32>,
        %scan3A_339 = arith.constant 0 : i32
        %scan3A_340 = arith.constant 1 : i32
        %scan3A_341 = arith.addi %scan3A_232, %scan3A_340 : i32
        %shift_right_arithmetic3A_342 = arith.constant 3 : i32
        %shift_right_arithmetic3A_343 = arith.shrsi %scan3A_341, %shift_right_arithmetic3A_342 : i32
        %and3A_344 = arith.constant 7 : i32
        %and3A_345 = arith.andi %scan3A_341, %and3A_344 : i32
        %broadcast_in_dim3A_346 = vector.broadcast %shift_right_arithmetic3A_343 : i32 to vector<16xi32>
        %mul3A_347 = arith.constant 16 : i32
        %mul3A_348 = arith.muli %mul3A_347, %and3A_345 : i32
        %add3A_349 = arith.constant 0 : i32
        %add3A_350 = arith.addi %add3A_349, %mul3A_348 : i32
        %get3A_351 = arith.index_cast %shift_right_arithmetic3A_343 : i32 to index
        %get3A_352 = arith.index_cast %add3A_350 : i32 to index
        %get3A_353 = tpu.vector_load %arg4[%get3A_351, %get3A_352] {strides = array<i32>} : memref<16x1024xf32, #tpu.memory_space<vmem>>, vector<16xf32>,
        %mul3A_354 = arith.constant 16 : i32
        %mul3A_355 = arith.muli %mul3A_354, %and3A_345 : i32
        %add3A_356 = arith.constant 128 : i32
        %add3A_357 = arith.addi %add3A_356, %mul3A_355 : i32
        %get3A_358 = arith.index_cast %shift_right_arithmetic3A_343 : i32 to index
        %get3A_359 = arith.index_cast %add3A_357 : i32 to index
        %get3A_360 = tpu.vector_load %arg4[%get3A_358, %get3A_359] {strides = array<i32>} : memref<16x1024xf32, #tpu.memory_space<vmem>>, vector<16xf32>,
        %mul3A_361 = arith.constant 16 : i32
        %mul3A_362 = arith.muli %mul3A_361, %and3A_345 : i32
        %add3A_363 = arith.constant 256 : i32
        %add3A_364 = arith.addi %add3A_363, %mul3A_362 : i32
        %get3A_365 = arith.index_cast %shift_right_arithmetic3A_343 : i32 to index
        %get3A_366 = arith.index_cast %add3A_364 : i32 to index
        %get3A_367 = tpu.vector_load %arg4[%get3A_365, %get3A_366] {strides = array<i32>} : memref<16x1024xf32, #tpu.memory_space<vmem>>, vector<16xf32>,
        %mul3A_368 = arith.constant 16 : i32
        %mul3A_369 = arith.muli %mul3A_368, %and3A_345 : i32
        %add3A_370 = arith.constant 384 : i32
        %add3A_371 = arith.addi %add3A_370, %mul3A_369 : i32
        %get3A_372 = arith.index_cast %shift_right_arithmetic3A_343 : i32 to index
        %get3A_373 = arith.index_cast %add3A_371 : i32 to index
        %get3A_374 = tpu.vector_load %arg4[%get3A_372, %get3A_373] {strides = array<i32>} : memref<16x1024xf32, #tpu.memory_space<vmem>>, vector<16xf32>,
        %mul3A_375 = arith.constant 16 : i32
        %mul3A_376 = arith.muli %mul3A_375, %and3A_345 : i32
        %add3A_377 = arith.constant 512 : i32
        %add3A_378 = arith.addi %add3A_377, %mul3A_376 : i32
        %get3A_379 = arith.index_cast %shift_right_arithmetic3A_343 : i32 to index
        %get3A_380 = arith.index_cast %add3A_378 : i32 to index
        %get3A_381 = tpu.vector_load %arg4[%get3A_379, %get3A_380] {strides = array<i32>} : memref<16x1024xf32, #tpu.memory_space<vmem>>, vector<16xf32>,
        %mul3A_382 = arith.constant 16 : i32
        %mul3A_383 = arith.muli %mul3A_382, %and3A_345 : i32
        %add3A_384 = arith.constant 640 : i32
        %add3A_385 = arith.addi %add3A_384, %mul3A_383 : i32
        %get3A_386 = arith.index_cast %shift_right_arithmetic3A_343 : i32 to index
        %get3A_387 = arith.index_cast %add3A_385 : i32 to index
        %get3A_388 = tpu.vector_load %arg4[%get3A_386, %get3A_387] {strides = array<i32>} : memref<16x1024xf32, #tpu.memory_space<vmem>>, vector<16xf32>,
        %mul3A_389 = arith.constant 16 : i32
        %mul3A_390 = arith.muli %mul3A_389, %and3A_345 : i32
        %add3A_391 = arith.constant 768 : i32
        %add3A_392 = arith.addi %add3A_391, %mul3A_390 : i32
        %get3A_393 = arith.index_cast %shift_right_arithmetic3A_343 : i32 to index
        %get3A_394 = arith.index_cast %add3A_392 : i32 to index
        %get3A_395 = tpu.vector_load %arg4[%get3A_393, %get3A_394] {strides = array<i32>} : memref<16x1024xf32, #tpu.memory_space<vmem>>, vector<16xf32>,
        %mul3A_396 = arith.constant 16 : i32
        %mul3A_397 = arith.muli %mul3A_396, %and3A_345 : i32
        %add3A_398 = arith.constant 896 : i32
        %add3A_399 = arith.addi %add3A_398, %mul3A_397 : i32
        %get3A_400 = arith.index_cast %shift_right_arithmetic3A_343 : i32 to index
        %get3A_401 = arith.index_cast %add3A_399 : i32 to index
        %get3A_402 = tpu.vector_load %arg4[%get3A_400, %get3A_401] {strides = array<i32>} : memref<16x1024xf32, #tpu.memory_space<vmem>>, vector<16xf32>,
        %mul3A_403 = arith.constant 128 : i32
        %mul3A_404 = arith.muli %and3A_345, %mul3A_403 : i32
        %add3A_405 = arith.constant 0 : i32
        %add3A_406 = arith.addi %mul3A_404, %add3A_405 : i32
        %add3A_407 = vector.broadcast %add3A_406 : i32 to vector<16xi32>
        %add3A_408 = arith.addi %shift_left3A_166, %add3A_407 : vector<16xi32>
        tpu.vector_store_idx %arg6[%broadcast_in_dim3A_346, %add3A_408], %get3A_353 : memref<16x1024xf32, #tpu.memory_space<vmem>>[vector<16xi32>, vector<16xi32>], vector<16xf32>,
        %mul3A_409 = arith.constant 128 : i32
        %mul3A_410 = arith.muli %and3A_345, %mul3A_409 : i32
        %add3A_411 = arith.constant 1 : i32
        %add3A_412 = arith.addi %mul3A_410, %add3A_411 : i32
        %add3A_413 = vector.broadcast %add3A_412 : i32 to vector<16xi32>
        %add3A_414 = arith.addi %shift_left3A_166, %add3A_413 : vector<16xi32>
        tpu.vector_store_idx %arg6[%broadcast_in_dim3A_346, %add3A_414], %get3A_360 : memref<16x1024xf32, #tpu.memory_space<vmem>>[vector<16xi32>, vector<16xi32>], vector<16xf32>,
        %mul3A_415 = arith.constant 128 : i32
        %mul3A_416 = arith.muli %and3A_345, %mul3A_415 : i32
        %add3A_417 = arith.constant 2 : i32
        %add3A_418 = arith.addi %mul3A_416, %add3A_417 : i32
        %add3A_419 = vector.broadcast %add3A_418 : i32 to vector<16xi32>
        %add3A_420 = arith.addi %shift_left3A_166, %add3A_419 : vector<16xi32>
        tpu.vector_store_idx %arg6[%broadcast_in_dim3A_346, %add3A_420], %get3A_367 : memref<16x1024xf32, #tpu.memory_space<vmem>>[vector<16xi32>, vector<16xi32>], vector<16xf32>,
        %mul3A_421 = arith.constant 128 : i32
        %mul3A_422 = arith.muli %and3A_345, %mul3A_421 : i32
        %add3A_423 = arith.constant 3 : i32
        %add3A_424 = arith.addi %mul3A_422, %add3A_423 : i32
        %add3A_425 = vector.broadcast %add3A_424 : i32 to vector<16xi32>
        %add3A_426 = arith.addi %shift_left3A_166, %add3A_425 : vector<16xi32>
        tpu.vector_store_idx %arg6[%broadcast_in_dim3A_346, %add3A_426], %get3A_374 : memref<16x1024xf32, #tpu.memory_space<vmem>>[vector<16xi32>, vector<16xi32>], vector<16xf32>,
        %mul3A_427 = arith.constant 128 : i32
        %mul3A_428 = arith.muli %and3A_345, %mul3A_427 : i32
        %add3A_429 = arith.constant 4 : i32
        %add3A_430 = arith.addi %mul3A_428, %add3A_429 : i32
        %add3A_431 = vector.broadcast %add3A_430 : i32 to vector<16xi32>
        %add3A_432 = arith.addi %shift_left3A_166, %add3A_431 : vector<16xi32>
        tpu.vector_store_idx %arg6[%broadcast_in_dim3A_346, %add3A_432], %get3A_381 : memref<16x1024xf32, #tpu.memory_space<vmem>>[vector<16xi32>, vector<16xi32>], vector<16xf32>,
        %mul3A_433 = arith.constant 128 : i32
        %mul3A_434 = arith.muli %and3A_345, %mul3A_433 : i32
        %add3A_435 = arith.constant 5 : i32
        %add3A_436 = arith.addi %mul3A_434, %add3A_435 : i32
        %add3A_437 = vector.broadcast %add3A_436 : i32 to vector<16xi32>
        %add3A_438 = arith.addi %shift_left3A_166, %add3A_437 : vector<16xi32>
        tpu.vector_store_idx %arg6[%broadcast_in_dim3A_346, %add3A_438], %get3A_388 : memref<16x1024xf32, #tpu.memory_space<vmem>>[vector<16xi32>, vector<16xi32>], vector<16xf32>,
        %mul3A_439 = arith.constant 128 : i32
        %mul3A_440 = arith.muli %and3A_345, %mul3A_439 : i32
        %add3A_441 = arith.constant 6 : i32
        %add3A_442 = arith.addi %mul3A_440, %add3A_441 : i32
        %add3A_443 = vector.broadcast %add3A_442 : i32 to vector<16xi32>
        %add3A_444 = arith.addi %shift_left3A_166, %add3A_443 : vector<16xi32>
        tpu.vector_store_idx %arg6[%broadcast_in_dim3A_346, %add3A_444], %get3A_395 : memref<16x1024xf32, #tpu.memory_space<vmem>>[vector<16xi32>, vector<16xi32>], vector<16xf32>,
        %mul3A_445 = arith.constant 128 : i32
        %mul3A_446 = arith.muli %and3A_345, %mul3A_445 : i32
        %add3A_447 = arith.constant 7 : i32
        %add3A_448 = arith.addi %mul3A_446, %add3A_447 : i32
        %add3A_449 = vector.broadcast %add3A_448 : i32 to vector<16xi32>
        %add3A_450 = arith.addi %shift_left3A_166, %add3A_449 : vector<16xi32>
        tpu.vector_store_idx %arg6[%broadcast_in_dim3A_346, %add3A_450], %get3A_402 : memref<16x1024xf32, #tpu.memory_space<vmem>>[vector<16xi32>, vector<16xi32>], vector<16xf32>,
        %scan3A_451 = arith.constant 0 : i32
        scf.yield %scan3A_451 : i32
      }
      %scan3A_173 = arith.constant 128 : i32
      %mul3A_174 = arith.constant 16 : i32
      %mul3A_175 = arith.muli %mul3A_150, %mul3A_174 : i32
      %add3A_176 = arith.addi %mul3A_4, %mul3A_175 : i32
      %dma_start3A_177 = arith.constant 0 : i32
      %dma_start3A_178 = tpu.memref_slice %arg3[%add3A_176, %dma_start3A_177] : memref<14336x1024xf32, #tpu.memory_space<hbm>> -> memref<16x1024xf32, #tpu.memory_space<hbm>>
      %dma_start3A_179 = arith.constant 0 : i32
      %dma_start3A_180 = tpu.memref_slice %arg3[%add3A_176, %dma_start3A_179] : memref<14336x1024xf32, #tpu.memory_space<hbm>> -> memref<16x1024xf32, #tpu.memory_space<hbm>>
      tpu.enqueue_dma source(%arg6 : memref<16x1024xf32, #tpu.memory_space<vmem>>) target(%dma_start3A_180 : memref<16x1024xf32, #tpu.memory_space<hbm>>) target_semaphore(%arg10 : memref<!tpu.dma_semaphore, #tpu.memory_space<semaphore_mem>>)
      %add3A_181 = arith.constant 2 : i32
      %add3A_182 = arith.addi %mul3A_150, %add3A_181 : i32
      %mul3A_183 = arith.constant 16 : i32
      %mul3A_184 = arith.muli %add3A_182, %mul3A_183 : i32
      %add3A_185 = arith.addi %mul3A_4, %mul3A_184 : i32
      %dma_start3A_186 = arith.constant 0 : i32
      %dma_start3A_187 = tpu.memref_slice %arg2[%add3A_185, %dma_start3A_186] : memref<14336x1024xf32, #tpu.memory_space<hbm>> -> memref<16x1024xf32, #tpu.memory_space<hbm>>
      %dma_start3A_188 = arith.constant 0 : i32
      %dma_start3A_189 = tpu.memref_slice %arg2[%add3A_185, %dma_start3A_188] : memref<14336x1024xf32, #tpu.memory_space<hbm>> -> memref<16x1024xf32, #tpu.memory_space<hbm>>
      tpu.enqueue_dma source(%dma_start3A_189 : memref<16x1024xf32, #tpu.memory_space<hbm>>) target(%arg4 : memref<16x1024xf32, #tpu.memory_space<vmem>>) target_semaphore(%arg8 : memref<!tpu.dma_semaphore, #tpu.memory_space<semaphore_mem>>)
      %dma_wait3A_190 = arith.constant 0 : i32
      %dma_wait3A_191 = arith.constant 0 : i32
      %dma_wait3A_192 = tpu.memref_slice %arg2[%dma_wait3A_190, %dma_wait3A_191] : memref<14336x1024xf32, #tpu.memory_space<hbm>> -> memref<16x1024xf32, #tpu.memory_space<hbm>>
      %dma_wait3A_193 = arith.constant 0 : i32
      %dma_wait3A_194 = arith.constant 0 : i32
      %dma_wait3A_195 = tpu.memref_slice %arg2[%dma_wait3A_193, %dma_wait3A_194] : memref<14336x1024xf32, #tpu.memory_space<hbm>> -> memref<16x1024xf32, #tpu.memory_space<hbm>>
      tpu.wait_dma2 semaphore(%arg9 : memref<!tpu.dma_semaphore, #tpu.memory_space<semaphore_mem>>) src(%dma_wait3A_195 : memref<16x1024xf32, #tpu.memory_space<hbm>>) dst(%arg5 : memref<16x1024xf32, #tpu.memory_space<vmem>>)
      %dma_wait3A_196 = arith.constant 0 : i32
      %dma_wait3A_197 = arith.constant 0 : i32
      %dma_wait3A_198 = tpu.memref_slice %arg3[%dma_wait3A_196, %dma_wait3A_197] : memref<14336x1024xf32, #tpu.memory_space<hbm>> -> memref<16x1024xf32, #tpu.memory_space<hbm>>
      %dma_wait3A_199 = arith.constant 0 : i32
      %dma_wait3A_200 = arith.constant 0 : i32
      %dma_wait3A_201 = tpu.memref_slice %arg3[%dma_wait3A_199, %dma_wait3A_200] : memref<14336x1024xf32, #tpu.memory_space<hbm>> -> memref<16x1024xf32, #tpu.memory_space<hbm>>
      tpu.wait_dma2 semaphore(%arg11 : memref<!tpu.dma_semaphore, #tpu.memory_space<semaphore_mem>>) src(%arg7 : memref<16x1024xf32, #tpu.memory_space<vmem>>) dst(%dma_wait3A_201 : memref<16x1024xf32, #tpu.memory_space<hbm>>)
      %iota3A_202 = tpu.iota {dimensions = array<i32: 0>} : vector<16xi32>
      %shift_left3A_203 = arith.constant 3 : i32
      %shift_left3A_204 = vector.broadcast %shift_left3A_203 : i32 to vector<16xi32>
      %shift_left3A_205 = arith.shli %iota3A_202, %shift_left3A_204 : vector<16xi32>
      %scan3A_206 = arith.constant 0 : i32
      %scan3A_207 = arith.constant 0 : i32
      %scan3A_208 = arith.constant 128 : i32
      %scan3A_209 = arith.addi %scan3A_207, %scan3A_208 : i32
      %scan3A_210 = arith.constant 2 : i32
      %scan3A_211 = scf.for %scan3A_232 = %scan3A_207 to %scan3A_209 step %scan3A_210 iter_args(%scan3A_233 = %scan3A_206) -> (i32)  : i32 {
        %shift_right_arithmetic3A = arith.constant 3 : i32
        %shift_right_arithmetic3A_234 = arith.shrsi %scan3A_232, %shift_right_arithmetic3A : i32
        %and3A = arith.constant 7 : i32
        %and3A_235 = arith.andi %scan3A_232, %and3A : i32
        %broadcast_in_dim3A = vector.broadcast %shift_right_arithmetic3A_234 : i32 to vector<16xi32>
        %mul3A_236 = arith.constant 16 : i32
        %mul3A_237 = arith.muli %mul3A_236, %and3A_235 : i32
        %add3A_238 = arith.constant 0 : i32
        %add3A_239 = arith.addi %add3A_238, %mul3A_237 : i32
        %get3A = arith.index_cast %shift_right_arithmetic3A_234 : i32 to index
        %get3A_240 = arith.index_cast %add3A_239 : i32 to index
        %get3A_241 = tpu.vector_load %arg5[%get3A, %get3A_240] {strides = array<i32>} : memref<16x1024xf32, #tpu.memory_space<vmem>>, vector<16xf32>,
        %mul3A_242 = arith.constant 16 : i32
        %mul3A_243 = arith.muli %mul3A_242, %and3A_235 : i32
        %add3A_244 = arith.constant 128 : i32
        %add3A_245 = arith.addi %add3A_244, %mul3A_243 : i32
        %get3A_246 = arith.index_cast %shift_right_arithmetic3A_234 : i32 to index
        %get3A_247 = arith.index_cast %add3A_245 : i32 to index
        %get3A_248 = tpu.vector_load %arg5[%get3A_246, %get3A_247] {strides = array<i32>} : memref<16x1024xf32, #tpu.memory_space<vmem>>, vector<16xf32>,
        %mul3A_249 = arith.constant 16 : i32
        %mul3A_250 = arith.muli %mul3A_249, %and3A_235 : i32
        %add3A_251 = arith.constant 256 : i32
        %add3A_252 = arith.addi %add3A_251, %mul3A_250 : i32
        %get3A_253 = arith.index_cast %shift_right_arithmetic3A_234 : i32 to index
        %get3A_254 = arith.index_cast %add3A_252 : i32 to index
        %get3A_255 = tpu.vector_load %arg5[%get3A_253, %get3A_254] {strides = array<i32>} : memref<16x1024xf32, #tpu.memory_space<vmem>>, vector<16xf32>,
        %mul3A_256 = arith.constant 16 : i32
        %mul3A_257 = arith.muli %mul3A_256, %and3A_235 : i32
        %add3A_258 = arith.constant 384 : i32
        %add3A_259 = arith.addi %add3A_258, %mul3A_257 : i32
        %get3A_260 = arith.index_cast %shift_right_arithmetic3A_234 : i32 to index
        %get3A_261 = arith.index_cast %add3A_259 : i32 to index
        %get3A_262 = tpu.vector_load %arg5[%get3A_260, %get3A_261] {strides = array<i32>} : memref<16x1024xf32, #tpu.memory_space<vmem>>, vector<16xf32>,
        %mul3A_263 = arith.constant 16 : i32
        %mul3A_264 = arith.muli %mul3A_263, %and3A_235 : i32
        %add3A_265 = arith.constant 512 : i32
        %add3A_266 = arith.addi %add3A_265, %mul3A_264 : i32
        %get3A_267 = arith.index_cast %shift_right_arithmetic3A_234 : i32 to index
        %get3A_268 = arith.index_cast %add3A_266 : i32 to index
        %get3A_269 = tpu.vector_load %arg5[%get3A_267, %get3A_268] {strides = array<i32>} : memref<16x1024xf32, #tpu.memory_space<vmem>>, vector<16xf32>,
        %mul3A_270 = arith.constant 16 : i32
        %mul3A_271 = arith.muli %mul3A_270, %and3A_235 : i32
        %add3A_272 = arith.constant 640 : i32
        %add3A_273 = arith.addi %add3A_272, %mul3A_271 : i32
        %get3A_274 = arith.index_cast %shift_right_arithmetic3A_234 : i32 to index
        %get3A_275 = arith.index_cast %add3A_273 : i32 to index
        %get3A_276 = tpu.vector_load %arg5[%get3A_274, %get3A_275] {strides = array<i32>} : memref<16x1024xf32, #tpu.memory_space<vmem>>, vector<16xf32>,
        %mul3A_277 = arith.constant 16 : i32
        %mul3A_278 = arith.muli %mul3A_277, %and3A_235 : i32
        %add3A_279 = arith.constant 768 : i32
        %add3A_280 = arith.addi %add3A_279, %mul3A_278 : i32
        %get3A_281 = arith.index_cast %shift_right_arithmetic3A_234 : i32 to index
        %get3A_282 = arith.index_cast %add3A_280 : i32 to index
        %get3A_283 = tpu.vector_load %arg5[%get3A_281, %get3A_282] {strides = array<i32>} : memref<16x1024xf32, #tpu.memory_space<vmem>>, vector<16xf32>,
        %mul3A_284 = arith.constant 16 : i32
        %mul3A_285 = arith.muli %mul3A_284, %and3A_235 : i32
        %add3A_286 = arith.constant 896 : i32
        %add3A_287 = arith.addi %add3A_286, %mul3A_285 : i32
        %get3A_288 = arith.index_cast %shift_right_arithmetic3A_234 : i32 to index
        %get3A_289 = arith.index_cast %add3A_287 : i32 to index
        %get3A_290 = tpu.vector_load %arg5[%get3A_288, %get3A_289] {strides = array<i32>} : memref<16x1024xf32, #tpu.memory_space<vmem>>, vector<16xf32>,
        %mul3A_291 = arith.constant 128 : i32
        %mul3A_292 = arith.muli %and3A_235, %mul3A_291 : i32
        %add3A_293 = arith.constant 0 : i32
        %add3A_294 = arith.addi %mul3A_292, %add3A_293 : i32
        %add3A_295 = vector.broadcast %add3A_294 : i32 to vector<16xi32>
        %add3A_296 = arith.addi %shift_left3A_205, %add3A_295 : vector<16xi32>
        tpu.vector_store_idx %arg7[%broadcast_in_dim3A, %add3A_296], %get3A_241 : memref<16x1024xf32, #tpu.memory_space<vmem>>[vector<16xi32>, vector<16xi32>], vector<16xf32>,
        %mul3A_297 = arith.constant 128 : i32
        %mul3A_298 = arith.muli %and3A_235, %mul3A_297 : i32
        %add3A_299 = arith.constant 1 : i32
        %add3A_300 = arith.addi %mul3A_298, %add3A_299 : i32
        %add3A_301 = vector.broadcast %add3A_300 : i32 to vector<16xi32>
        %add3A_302 = arith.addi %shift_left3A_205, %add3A_301 : vector<16xi32>
        tpu.vector_store_idx %arg7[%broadcast_in_dim3A, %add3A_302], %get3A_248 : memref<16x1024xf32, #tpu.memory_space<vmem>>[vector<16xi32>, vector<16xi32>], vector<16xf32>,
        %mul3A_303 = arith.constant 128 : i32
        %mul3A_304 = arith.muli %and3A_235, %mul3A_303 : i32
        %add3A_305 = arith.constant 2 : i32
        %add3A_306 = arith.addi %mul3A_304, %add3A_305 : i32
        %add3A_307 = vector.broadcast %add3A_306 : i32 to vector<16xi32>
        %add3A_308 = arith.addi %shift_left3A_205, %add3A_307 : vector<16xi32>
        tpu.vector_store_idx %arg7[%broadcast_in_dim3A, %add3A_308], %get3A_255 : memref<16x1024xf32, #tpu.memory_space<vmem>>[vector<16xi32>, vector<16xi32>], vector<16xf32>,
        %mul3A_309 = arith.constant 128 : i32
        %mul3A_310 = arith.muli %and3A_235, %mul3A_309 : i32
        %add3A_311 = arith.constant 3 : i32
        %add3A_312 = arith.addi %mul3A_310, %add3A_311 : i32
        %add3A_313 = vector.broadcast %add3A_312 : i32 to vector<16xi32>
        %add3A_314 = arith.addi %shift_left3A_205, %add3A_313 : vector<16xi32>
        tpu.vector_store_idx %arg7[%broadcast_in_dim3A, %add3A_314], %get3A_262 : memref<16x1024xf32, #tpu.memory_space<vmem>>[vector<16xi32>, vector<16xi32>], vector<16xf32>,
        %mul3A_315 = arith.constant 128 : i32
        %mul3A_316 = arith.muli %and3A_235, %mul3A_315 : i32
        %add3A_317 = arith.constant 4 : i32
        %add3A_318 = arith.addi %mul3A_316, %add3A_317 : i32
        %add3A_319 = vector.broadcast %add3A_318 : i32 to vector<16xi32>
        %add3A_320 = arith.addi %shift_left3A_205, %add3A_319 : vector<16xi32>
        tpu.vector_store_idx %arg7[%broadcast_in_dim3A, %add3A_320], %get3A_269 : memref<16x1024xf32, #tpu.memory_space<vmem>>[vector<16xi32>, vector<16xi32>], vector<16xf32>,
        %mul3A_321 = arith.constant 128 : i32
        %mul3A_322 = arith.muli %and3A_235, %mul3A_321 : i32
        %add3A_323 = arith.constant 5 : i32
        %add3A_324 = arith.addi %mul3A_322, %add3A_323 : i32
        %add3A_325 = vector.broadcast %add3A_324 : i32 to vector<16xi32>
        %add3A_326 = arith.addi %shift_left3A_205, %add3A_325 : vector<16xi32>
        tpu.vector_store_idx %arg7[%broadcast_in_dim3A, %add3A_326], %get3A_276 : memref<16x1024xf32, #tpu.memory_space<vmem>>[vector<16xi32>, vector<16xi32>], vector<16xf32>,
        %mul3A_327 = arith.constant 128 : i32
        %mul3A_328 = arith.muli %and3A_235, %mul3A_327 : i32
        %add3A_329 = arith.constant 6 : i32
        %add3A_330 = arith.addi %mul3A_328, %add3A_329 : i32
        %add3A_331 = vector.broadcast %add3A_330 : i32 to vector<16xi32>
        %add3A_332 = arith.addi %shift_left3A_205, %add3A_331 : vector<16xi32>
        tpu.vector_store_idx %arg7[%broadcast_in_dim3A, %add3A_332], %get3A_283 : memref<16x1024xf32, #tpu.memory_space<vmem>>[vector<16xi32>, vector<16xi32>], vector<16xf32>,
        %mul3A_333 = arith.constant 128 : i32
        %mul3A_334 = arith.muli %and3A_235, %mul3A_333 : i32
        %add3A_335 = arith.constant 7 : i32
        %add3A_336 = arith.addi %mul3A_334, %add3A_335 : i32
        %add3A_337 = vector.broadcast %add3A_336 : i32 to vector<16xi32>
        %add3A_338 = arith.addi %shift_left3A_205, %add3A_337 : vector<16xi32>
        tpu.vector_store_idx %arg7[%broadcast_in_dim3A, %add3A_338], %get3A_290 : memref<16x1024xf32, #tpu.memory_space<vmem>>[vector<16xi32>, vector<16xi32>], vector<16xf32>,
        %scan3A_339 = arith.constant 0 : i32
        %scan3A_340 = arith.constant 1 : i32
        %scan3A_341 = arith.addi %scan3A_232, %scan3A_340 : i32
        %shift_right_arithmetic3A_342 = arith.constant 3 : i32
        %shift_right_arithmetic3A_343 = arith.shrsi %scan3A_341, %shift_right_arithmetic3A_342 : i32
        %and3A_344 = arith.constant 7 : i32
        %and3A_345 = arith.andi %scan3A_341, %and3A_344 : i32
        %broadcast_in_dim3A_346 = vector.broadcast %shift_right_arithmetic3A_343 : i32 to vector<16xi32>
        %mul3A_347 = arith.constant 16 : i32
        %mul3A_348 = arith.muli %mul3A_347, %and3A_345 : i32
        %add3A_349 = arith.constant 0 : i32
        %add3A_350 = arith.addi %add3A_349, %mul3A_348 : i32
        %get3A_351 = arith.index_cast %shift_right_arithmetic3A_343 : i32 to index
        %get3A_352 = arith.index_cast %add3A_350 : i32 to index
        %get3A_353 = tpu.vector_load %arg5[%get3A_351, %get3A_352] {strides = array<i32>} : memref<16x1024xf32, #tpu.memory_space<vmem>>, vector<16xf32>,
        %mul3A_354 = arith.constant 16 : i32
        %mul3A_355 = arith.muli %mul3A_354, %and3A_345 : i32
        %add3A_356 = arith.constant 128 : i32
        %add3A_357 = arith.addi %add3A_356, %mul3A_355 : i32
        %get3A_358 = arith.index_cast %shift_right_arithmetic3A_343 : i32 to index
        %get3A_359 = arith.index_cast %add3A_357 : i32 to index
        %get3A_360 = tpu.vector_load %arg5[%get3A_358, %get3A_359] {strides = array<i32>} : memref<16x1024xf32, #tpu.memory_space<vmem>>, vector<16xf32>,
        %mul3A_361 = arith.constant 16 : i32
        %mul3A_362 = arith.muli %mul3A_361, %and3A_345 : i32
        %add3A_363 = arith.constant 256 : i32
        %add3A_364 = arith.addi %add3A_363, %mul3A_362 : i32
        %get3A_365 = arith.index_cast %shift_right_arithmetic3A_343 : i32 to index
        %get3A_366 = arith.index_cast %add3A_364 : i32 to index
        %get3A_367 = tpu.vector_load %arg5[%get3A_365, %get3A_366] {strides = array<i32>} : memref<16x1024xf32, #tpu.memory_space<vmem>>, vector<16xf32>,
        %mul3A_368 = arith.constant 16 : i32
        %mul3A_369 = arith.muli %mul3A_368, %and3A_345 : i32
        %add3A_370 = arith.constant 384 : i32
        %add3A_371 = arith.addi %add3A_370, %mul3A_369 : i32
        %get3A_372 = arith.index_cast %shift_right_arithmetic3A_343 : i32 to index
        %get3A_373 = arith.index_cast %add3A_371 : i32 to index
        %get3A_374 = tpu.vector_load %arg5[%get3A_372, %get3A_373] {strides = array<i32>} : memref<16x1024xf32, #tpu.memory_space<vmem>>, vector<16xf32>,
        %mul3A_375 = arith.constant 16 : i32
        %mul3A_376 = arith.muli %mul3A_375, %and3A_345 : i32
        %add3A_377 = arith.constant 512 : i32
        %add3A_378 = arith.addi %add3A_377, %mul3A_376 : i32
        %get3A_379 = arith.index_cast %shift_right_arithmetic3A_343 : i32 to index
        %get3A_380 = arith.index_cast %add3A_378 : i32 to index
        %get3A_381 = tpu.vector_load %arg5[%get3A_379, %get3A_380] {strides = array<i32>} : memref<16x1024xf32, #tpu.memory_space<vmem>>, vector<16xf32>,
        %mul3A_382 = arith.constant 16 : i32
        %mul3A_383 = arith.muli %mul3A_382, %and3A_345 : i32
        %add3A_384 = arith.constant 640 : i32
        %add3A_385 = arith.addi %add3A_384, %mul3A_383 : i32
        %get3A_386 = arith.index_cast %shift_right_arithmetic3A_343 : i32 to index
        %get3A_387 = arith.index_cast %add3A_385 : i32 to index
        %get3A_388 = tpu.vector_load %arg5[%get3A_386, %get3A_387] {strides = array<i32>} : memref<16x1024xf32, #tpu.memory_space<vmem>>, vector<16xf32>,
        %mul3A_389 = arith.constant 16 : i32
        %mul3A_390 = arith.muli %mul3A_389, %and3A_345 : i32
        %add3A_391 = arith.constant 768 : i32
        %add3A_392 = arith.addi %add3A_391, %mul3A_390 : i32
        %get3A_393 = arith.index_cast %shift_right_arithmetic3A_343 : i32 to index
        %get3A_394 = arith.index_cast %add3A_392 : i32 to index
        %get3A_395 = tpu.vector_load %arg5[%get3A_393, %get3A_394] {strides = array<i32>} : memref<16x1024xf32, #tpu.memory_space<vmem>>, vector<16xf32>,
        %mul3A_396 = arith.constant 16 : i32
        %mul3A_397 = arith.muli %mul3A_396, %and3A_345 : i32
        %add3A_398 = arith.constant 896 : i32
        %add3A_399 = arith.addi %add3A_398, %mul3A_397 : i32
        %get3A_400 = arith.index_cast %shift_right_arithmetic3A_343 : i32 to index
        %get3A_401 = arith.index_cast %add3A_399 : i32 to index
        %get3A_402 = tpu.vector_load %arg5[%get3A_400, %get3A_401] {strides = array<i32>} : memref<16x1024xf32, #tpu.memory_space<vmem>>, vector<16xf32>,
        %mul3A_403 = arith.constant 128 : i32
        %mul3A_404 = arith.muli %and3A_345, %mul3A_403 : i32
        %add3A_405 = arith.constant 0 : i32
        %add3A_406 = arith.addi %mul3A_404, %add3A_405 : i32
        %add3A_407 = vector.broadcast %add3A_406 : i32 to vector<16xi32>
        %add3A_408 = arith.addi %shift_left3A_205, %add3A_407 : vector<16xi32>
        tpu.vector_store_idx %arg7[%broadcast_in_dim3A_346, %add3A_408], %get3A_353 : memref<16x1024xf32, #tpu.memory_space<vmem>>[vector<16xi32>, vector<16xi32>], vector<16xf32>,
        %mul3A_409 = arith.constant 128 : i32
        %mul3A_410 = arith.muli %and3A_345, %mul3A_409 : i32
        %add3A_411 = arith.constant 1 : i32
        %add3A_412 = arith.addi %mul3A_410, %add3A_411 : i32
        %add3A_413 = vector.broadcast %add3A_412 : i32 to vector<16xi32>
        %add3A_414 = arith.addi %shift_left3A_205, %add3A_413 : vector<16xi32>
        tpu.vector_store_idx %arg7[%broadcast_in_dim3A_346, %add3A_414], %get3A_360 : memref<16x1024xf32, #tpu.memory_space<vmem>>[vector<16xi32>, vector<16xi32>], vector<16xf32>,
        %mul3A_415 = arith.constant 128 : i32
        %mul3A_416 = arith.muli %and3A_345, %mul3A_415 : i32
        %add3A_417 = arith.constant 2 : i32
        %add3A_418 = arith.addi %mul3A_416, %add3A_417 : i32
        %add3A_419 = vector.broadcast %add3A_418 : i32 to vector<16xi32>
        %add3A_420 = arith.addi %shift_left3A_205, %add3A_419 : vector<16xi32>
        tpu.vector_store_idx %arg7[%broadcast_in_dim3A_346, %add3A_420], %get3A_367 : memref<16x1024xf32, #tpu.memory_space<vmem>>[vector<16xi32>, vector<16xi32>], vector<16xf32>,
        %mul3A_421 = arith.constant 128 : i32
        %mul3A_422 = arith.muli %and3A_345, %mul3A_421 : i32
        %add3A_423 = arith.constant 3 : i32
        %add3A_424 = arith.addi %mul3A_422, %add3A_423 : i32
        %add3A_425 = vector.broadcast %add3A_424 : i32 to vector<16xi32>
        %add3A_426 = arith.addi %shift_left3A_205, %add3A_425 : vector<16xi32>
        tpu.vector_store_idx %arg7[%broadcast_in_dim3A_346, %add3A_426], %get3A_374 : memref<16x1024xf32, #tpu.memory_space<vmem>>[vector<16xi32>, vector<16xi32>], vector<16xf32>,
        %mul3A_427 = arith.constant 128 : i32
        %mul3A_428 = arith.muli %and3A_345, %mul3A_427 : i32
        %add3A_429 = arith.constant 4 : i32
        %add3A_430 = arith.addi %mul3A_428, %add3A_429 : i32
        %add3A_431 = vector.broadcast %add3A_430 : i32 to vector<16xi32>
        %add3A_432 = arith.addi %shift_left3A_205, %add3A_431 : vector<16xi32>
        tpu.vector_store_idx %arg7[%broadcast_in_dim3A_346, %add3A_432], %get3A_381 : memref<16x1024xf32, #tpu.memory_space<vmem>>[vector<16xi32>, vector<16xi32>], vector<16xf32>,
        %mul3A_433 = arith.constant 128 : i32
        %mul3A_434 = arith.muli %and3A_345, %mul3A_433 : i32
        %add3A_435 = arith.constant 5 : i32
        %add3A_436 = arith.addi %mul3A_434, %add3A_435 : i32
        %add3A_437 = vector.broadcast %add3A_436 : i32 to vector<16xi32>
        %add3A_438 = arith.addi %shift_left3A_205, %add3A_437 : vector<16xi32>
        tpu.vector_store_idx %arg7[%broadcast_in_dim3A_346, %add3A_438], %get3A_388 : memref<16x1024xf32, #tpu.memory_space<vmem>>[vector<16xi32>, vector<16xi32>], vector<16xf32>,
        %mul3A_439 = arith.constant 128 : i32
        %mul3A_440 = arith.muli %and3A_345, %mul3A_439 : i32
        %add3A_441 = arith.constant 6 : i32
        %add3A_442 = arith.addi %mul3A_440, %add3A_441 : i32
        %add3A_443 = vector.broadcast %add3A_442 : i32 to vector<16xi32>
        %add3A_444 = arith.addi %shift_left3A_205, %add3A_443 : vector<16xi32>
        tpu.vector_store_idx %arg7[%broadcast_in_dim3A_346, %add3A_444], %get3A_395 : memref<16x1024xf32, #tpu.memory_space<vmem>>[vector<16xi32>, vector<16xi32>], vector<16xf32>,
        %mul3A_445 = arith.constant 128 : i32
        %mul3A_446 = arith.muli %and3A_345, %mul3A_445 : i32
        %add3A_447 = arith.constant 7 : i32
        %add3A_448 = arith.addi %mul3A_446, %add3A_447 : i32
        %add3A_449 = vector.broadcast %add3A_448 : i32 to vector<16xi32>
        %add3A_450 = arith.addi %shift_left3A_205, %add3A_449 : vector<16xi32>
        tpu.vector_store_idx %arg7[%broadcast_in_dim3A_346, %add3A_450], %get3A_402 : memref<16x1024xf32, #tpu.memory_space<vmem>>[vector<16xi32>, vector<16xi32>], vector<16xf32>,
        %scan3A_451 = arith.constant 0 : i32
        scf.yield %scan3A_451 : i32
      }
      %scan3A_212 = arith.constant 128 : i32
      %add3A_213 = arith.constant 1 : i32
      %add3A_214 = arith.addi %mul3A_150, %add3A_213 : i32
      %mul3A_215 = arith.constant 16 : i32
      %mul3A_216 = arith.muli %add3A_214, %mul3A_215 : i32
      %add3A_217 = arith.addi %mul3A_4, %mul3A_216 : i32
      %dma_start3A_218 = arith.constant 0 : i32
      %dma_start3A_219 = tpu.memref_slice %arg3[%add3A_217, %dma_start3A_218] : memref<14336x1024xf32, #tpu.memory_space<hbm>> -> memref<16x1024xf32, #tpu.memory_space<hbm>>
      %dma_start3A_220 = arith.constant 0 : i32
      %dma_start3A_221 = tpu.memref_slice %arg3[%add3A_217, %dma_start3A_220] : memref<14336x1024xf32, #tpu.memory_space<hbm>> -> memref<16x1024xf32, #tpu.memory_space<hbm>>
      tpu.enqueue_dma source(%arg7 : memref<16x1024xf32, #tpu.memory_space<vmem>>) target(%dma_start3A_221 : memref<16x1024xf32, #tpu.memory_space<hbm>>) target_semaphore(%arg11 : memref<!tpu.dma_semaphore, #tpu.memory_space<semaphore_mem>>)
      %add3A_222 = arith.constant 3 : i32
      %add3A_223 = arith.addi %mul3A_150, %add3A_222 : i32
      %mul3A_224 = arith.constant 16 : i32
      %mul3A_225 = arith.muli %add3A_223, %mul3A_224 : i32
      %add3A_226 = arith.addi %mul3A_4, %mul3A_225 : i32
      %dma_start3A_227 = arith.constant 0 : i32
      %dma_start3A_228 = tpu.memref_slice %arg2[%add3A_226, %dma_start3A_227] : memref<14336x1024xf32, #tpu.memory_space<hbm>> -> memref<16x1024xf32, #tpu.memory_space<hbm>>
      %dma_start3A_229 = arith.constant 0 : i32
      %dma_start3A_230 = tpu.memref_slice %arg2[%add3A_226, %dma_start3A_229] : memref<14336x1024xf32, #tpu.memory_space<hbm>> -> memref<16x1024xf32, #tpu.memory_space<hbm>>
      tpu.enqueue_dma source(%dma_start3A_230 : memref<16x1024xf32, #tpu.memory_space<hbm>>) target(%arg5 : memref<16x1024xf32, #tpu.memory_space<vmem>>) target_semaphore(%arg9 : memref<!tpu.dma_semaphore, #tpu.memory_space<semaphore_mem>>)
      %scan3A_231 = arith.constant 0 : i32
      scf.yield %scan3A_231 : i32
    }
    %scan3A_76 = arith.constant 12 : i32
    %dma_wait3A_77 = arith.constant 0 : i32
    %dma_wait3A_78 = arith.constant 0 : i32
    %dma_wait3A_79 = tpu.memref_slice %arg2[%dma_wait3A_77, %dma_wait3A_78] : memref<14336x1024xf32, #tpu.memory_space<hbm>> -> memref<16x1024xf32, #tpu.memory_space<hbm>>
    %dma_wait3A_80 = arith.constant 0 : i32
    %dma_wait3A_81 = arith.constant 0 : i32
    %dma_wait3A_82 = tpu.memref_slice %arg2[%dma_wait3A_80, %dma_wait3A_81] : memref<14336x1024xf32, #tpu.memory_space<hbm>> -> memref<16x1024xf32, #tpu.memory_space<hbm>>
    tpu.wait_dma2 semaphore(%arg8 : memref<!tpu.dma_semaphore, #tpu.memory_space<semaphore_mem>>) src(%dma_wait3A_82 : memref<16x1024xf32, #tpu.memory_space<hbm>>) dst(%arg4 : memref<16x1024xf32, #tpu.memory_space<vmem>>)
    %dma_wait3A_83 = arith.constant 0 : i32
    %dma_wait3A_84 = arith.constant 0 : i32
    %dma_wait3A_85 = tpu.memref_slice %arg3[%dma_wait3A_83, %dma_wait3A_84] : memref<14336x1024xf32, #tpu.memory_space<hbm>> -> memref<16x1024xf32, #tpu.memory_space<hbm>>
    %dma_wait3A_86 = arith.constant 0 : i32
    %dma_wait3A_87 = arith.constant 0 : i32
    %dma_wait3A_88 = tpu.memref_slice %arg3[%dma_wait3A_86, %dma_wait3A_87] : memref<14336x1024xf32, #tpu.memory_space<hbm>> -> memref<16x1024xf32, #tpu.memory_space<hbm>>
    tpu.wait_dma2 semaphore(%arg10 : memref<!tpu.dma_semaphore, #tpu.memory_space<semaphore_mem>>) src(%arg6 : memref<16x1024xf32, #tpu.memory_space<vmem>>) dst(%dma_wait3A_88 : memref<16x1024xf32, #tpu.memory_space<hbm>>)
    %iota3A_89 = tpu.iota {dimensions = array<i32: 0>} : vector<16xi32>
    %shift_left3A_90 = arith.constant 3 : i32
    %shift_left3A_91 = vector.broadcast %shift_left3A_90 : i32 to vector<16xi32>
    %shift_left3A_92 = arith.shli %iota3A_89, %shift_left3A_91 : vector<16xi32>
    %scan3A_93 = arith.constant 0 : i32
    %scan3A_94 = arith.constant 0 : i32
    %scan3A_95 = arith.constant 128 : i32
    %scan3A_96 = arith.addi %scan3A_94, %scan3A_95 : i32
    %scan3A_97 = arith.constant 2 : i32
    %scan3A_98 = scf.for %scan3A_147 = %scan3A_94 to %scan3A_96 step %scan3A_97 iter_args(%scan3A_148 = %scan3A_93) -> (i32)  : i32 {
      %shift_right_arithmetic3A = arith.constant 3 : i32
      %shift_right_arithmetic3A_149 = arith.shrsi %scan3A_147, %shift_right_arithmetic3A : i32
      %and3A = arith.constant 7 : i32
      %and3A_150 = arith.andi %scan3A_147, %and3A : i32
      %broadcast_in_dim3A = vector.broadcast %shift_right_arithmetic3A_149 : i32 to vector<16xi32>
      %mul3A_151 = arith.constant 16 : i32
      %mul3A_152 = arith.muli %mul3A_151, %and3A_150 : i32
      %add3A_153 = arith.constant 0 : i32
      %add3A_154 = arith.addi %add3A_153, %mul3A_152 : i32
      %get3A = arith.index_cast %shift_right_arithmetic3A_149 : i32 to index
      %get3A_155 = arith.index_cast %add3A_154 : i32 to index
      %get3A_156 = tpu.vector_load %arg4[%get3A, %get3A_155] {strides = array<i32>} : memref<16x1024xf32, #tpu.memory_space<vmem>>, vector<16xf32>,
      %mul3A_157 = arith.constant 16 : i32
      %mul3A_158 = arith.muli %mul3A_157, %and3A_150 : i32
      %add3A_159 = arith.constant 128 : i32
      %add3A_160 = arith.addi %add3A_159, %mul3A_158 : i32
      %get3A_161 = arith.index_cast %shift_right_arithmetic3A_149 : i32 to index
      %get3A_162 = arith.index_cast %add3A_160 : i32 to index
      %get3A_163 = tpu.vector_load %arg4[%get3A_161, %get3A_162] {strides = array<i32>} : memref<16x1024xf32, #tpu.memory_space<vmem>>, vector<16xf32>,
      %mul3A_164 = arith.constant 16 : i32
      %mul3A_165 = arith.muli %mul3A_164, %and3A_150 : i32
      %add3A_166 = arith.constant 256 : i32
      %add3A_167 = arith.addi %add3A_166, %mul3A_165 : i32
      %get3A_168 = arith.index_cast %shift_right_arithmetic3A_149 : i32 to index
      %get3A_169 = arith.index_cast %add3A_167 : i32 to index
      %get3A_170 = tpu.vector_load %arg4[%get3A_168, %get3A_169] {strides = array<i32>} : memref<16x1024xf32, #tpu.memory_space<vmem>>, vector<16xf32>,
      %mul3A_171 = arith.constant 16 : i32
      %mul3A_172 = arith.muli %mul3A_171, %and3A_150 : i32
      %add3A_173 = arith.constant 384 : i32
      %add3A_174 = arith.addi %add3A_173, %mul3A_172 : i32
      %get3A_175 = arith.index_cast %shift_right_arithmetic3A_149 : i32 to index
      %get3A_176 = arith.index_cast %add3A_174 : i32 to index
      %get3A_177 = tpu.vector_load %arg4[%get3A_175, %get3A_176] {strides = array<i32>} : memref<16x1024xf32, #tpu.memory_space<vmem>>, vector<16xf32>,
      %mul3A_178 = arith.constant 16 : i32
      %mul3A_179 = arith.muli %mul3A_178, %and3A_150 : i32
      %add3A_180 = arith.constant 512 : i32
      %add3A_181 = arith.addi %add3A_180, %mul3A_179 : i32
      %get3A_182 = arith.index_cast %shift_right_arithmetic3A_149 : i32 to index
      %get3A_183 = arith.index_cast %add3A_181 : i32 to index
      %get3A_184 = tpu.vector_load %arg4[%get3A_182, %get3A_183] {strides = array<i32>} : memref<16x1024xf32, #tpu.memory_space<vmem>>, vector<16xf32>,
      %mul3A_185 = arith.constant 16 : i32
      %mul3A_186 = arith.muli %mul3A_185, %and3A_150 : i32
      %add3A_187 = arith.constant 640 : i32
      %add3A_188 = arith.addi %add3A_187, %mul3A_186 : i32
      %get3A_189 = arith.index_cast %shift_right_arithmetic3A_149 : i32 to index
      %get3A_190 = arith.index_cast %add3A_188 : i32 to index
      %get3A_191 = tpu.vector_load %arg4[%get3A_189, %get3A_190] {strides = array<i32>} : memref<16x1024xf32, #tpu.memory_space<vmem>>, vector<16xf32>,
      %mul3A_192 = arith.constant 16 : i32
      %mul3A_193 = arith.muli %mul3A_192, %and3A_150 : i32
      %add3A_194 = arith.constant 768 : i32
      %add3A_195 = arith.addi %add3A_194, %mul3A_193 : i32
      %get3A_196 = arith.index_cast %shift_right_arithmetic3A_149 : i32 to index
      %get3A_197 = arith.index_cast %add3A_195 : i32 to index
      %get3A_198 = tpu.vector_load %arg4[%get3A_196, %get3A_197] {strides = array<i32>} : memref<16x1024xf32, #tpu.memory_space<vmem>>, vector<16xf32>,
      %mul3A_199 = arith.constant 16 : i32
      %mul3A_200 = arith.muli %mul3A_199, %and3A_150 : i32
      %add3A_201 = arith.constant 896 : i32
      %add3A_202 = arith.addi %add3A_201, %mul3A_200 : i32
      %get3A_203 = arith.index_cast %shift_right_arithmetic3A_149 : i32 to index
      %get3A_204 = arith.index_cast %add3A_202 : i32 to index
      %get3A_205 = tpu.vector_load %arg4[%get3A_203, %get3A_204] {strides = array<i32>} : memref<16x1024xf32, #tpu.memory_space<vmem>>, vector<16xf32>,
      %mul3A_206 = arith.constant 128 : i32
      %mul3A_207 = arith.muli %and3A_150, %mul3A_206 : i32
      %add3A_208 = arith.constant 0 : i32
      %add3A_209 = arith.addi %mul3A_207, %add3A_208 : i32
      %add3A_210 = vector.broadcast %add3A_209 : i32 to vector<16xi32>
      %add3A_211 = arith.addi %shift_left3A_92, %add3A_210 : vector<16xi32>
      tpu.vector_store_idx %arg6[%broadcast_in_dim3A, %add3A_211], %get3A_156 : memref<16x1024xf32, #tpu.memory_space<vmem>>[vector<16xi32>, vector<16xi32>], vector<16xf32>,
      %mul3A_212 = arith.constant 128 : i32
      %mul3A_213 = arith.muli %and3A_150, %mul3A_212 : i32
      %add3A_214 = arith.constant 1 : i32
      %add3A_215 = arith.addi %mul3A_213, %add3A_214 : i32
      %add3A_216 = vector.broadcast %add3A_215 : i32 to vector<16xi32>
      %add3A_217 = arith.addi %shift_left3A_92, %add3A_216 : vector<16xi32>
      tpu.vector_store_idx %arg6[%broadcast_in_dim3A, %add3A_217], %get3A_163 : memref<16x1024xf32, #tpu.memory_space<vmem>>[vector<16xi32>, vector<16xi32>], vector<16xf32>,
      %mul3A_218 = arith.constant 128 : i32
      %mul3A_219 = arith.muli %and3A_150, %mul3A_218 : i32
      %add3A_220 = arith.constant 2 : i32
      %add3A_221 = arith.addi %mul3A_219, %add3A_220 : i32
      %add3A_222 = vector.broadcast %add3A_221 : i32 to vector<16xi32>
      %add3A_223 = arith.addi %shift_left3A_92, %add3A_222 : vector<16xi32>
      tpu.vector_store_idx %arg6[%broadcast_in_dim3A, %add3A_223], %get3A_170 : memref<16x1024xf32, #tpu.memory_space<vmem>>[vector<16xi32>, vector<16xi32>], vector<16xf32>,
      %mul3A_224 = arith.constant 128 : i32
      %mul3A_225 = arith.muli %and3A_150, %mul3A_224 : i32
      %add3A_226 = arith.constant 3 : i32
      %add3A_227 = arith.addi %mul3A_225, %add3A_226 : i32
      %add3A_228 = vector.broadcast %add3A_227 : i32 to vector<16xi32>
      %add3A_229 = arith.addi %shift_left3A_92, %add3A_228 : vector<16xi32>
      tpu.vector_store_idx %arg6[%broadcast_in_dim3A, %add3A_229], %get3A_177 : memref<16x1024xf32, #tpu.memory_space<vmem>>[vector<16xi32>, vector<16xi32>], vector<16xf32>,
      %mul3A_230 = arith.constant 128 : i32
      %mul3A_231 = arith.muli %and3A_150, %mul3A_230 : i32
      %add3A_232 = arith.constant 4 : i32
      %add3A_233 = arith.addi %mul3A_231, %add3A_232 : i32
      %add3A_234 = vector.broadcast %add3A_233 : i32 to vector<16xi32>
      %add3A_235 = arith.addi %shift_left3A_92, %add3A_234 : vector<16xi32>
      tpu.vector_store_idx %arg6[%broadcast_in_dim3A, %add3A_235], %get3A_184 : memref<16x1024xf32, #tpu.memory_space<vmem>>[vector<16xi32>, vector<16xi32>], vector<16xf32>,
      %mul3A_236 = arith.constant 128 : i32
      %mul3A_237 = arith.muli %and3A_150, %mul3A_236 : i32
      %add3A_238 = arith.constant 5 : i32
      %add3A_239 = arith.addi %mul3A_237, %add3A_238 : i32
      %add3A_240 = vector.broadcast %add3A_239 : i32 to vector<16xi32>
      %add3A_241 = arith.addi %shift_left3A_92, %add3A_240 : vector<16xi32>
      tpu.vector_store_idx %arg6[%broadcast_in_dim3A, %add3A_241], %get3A_191 : memref<16x1024xf32, #tpu.memory_space<vmem>>[vector<16xi32>, vector<16xi32>], vector<16xf32>,
      %mul3A_242 = arith.constant 128 : i32
      %mul3A_243 = arith.muli %and3A_150, %mul3A_242 : i32
      %add3A_244 = arith.constant 6 : i32
      %add3A_245 = arith.addi %mul3A_243, %add3A_244 : i32
      %add3A_246 = vector.broadcast %add3A_245 : i32 to vector<16xi32>
      %add3A_247 = arith.addi %shift_left3A_92, %add3A_246 : vector<16xi32>
      tpu.vector_store_idx %arg6[%broadcast_in_dim3A, %add3A_247], %get3A_198 : memref<16x1024xf32, #tpu.memory_space<vmem>>[vector<16xi32>, vector<16xi32>], vector<16xf32>,
      %mul3A_248 = arith.constant 128 : i32
      %mul3A_249 = arith.muli %and3A_150, %mul3A_248 : i32
      %add3A_250 = arith.constant 7 : i32
      %add3A_251 = arith.addi %mul3A_249, %add3A_250 : i32
      %add3A_252 = vector.broadcast %add3A_251 : i32 to vector<16xi32>
      %add3A_253 = arith.addi %shift_left3A_92, %add3A_252 : vector<16xi32>
      tpu.vector_store_idx %arg6[%broadcast_in_dim3A, %add3A_253], %get3A_205 : memref<16x1024xf32, #tpu.memory_space<vmem>>[vector<16xi32>, vector<16xi32>], vector<16xf32>,
      %scan3A_254 = arith.constant 0 : i32
      %scan3A_255 = arith.constant 1 : i32
      %scan3A_256 = arith.addi %scan3A_147, %scan3A_255 : i32
      %shift_right_arithmetic3A_257 = arith.constant 3 : i32
      %shift_right_arithmetic3A_258 = arith.shrsi %scan3A_256, %shift_right_arithmetic3A_257 : i32
      %and3A_259 = arith.constant 7 : i32
      %and3A_260 = arith.andi %scan3A_256, %and3A_259 : i32
      %broadcast_in_dim3A_261 = vector.broadcast %shift_right_arithmetic3A_258 : i32 to vector<16xi32>
      %mul3A_262 = arith.constant 16 : i32
      %mul3A_263 = arith.muli %mul3A_262, %and3A_260 : i32
      %add3A_264 = arith.constant 0 : i32
      %add3A_265 = arith.addi %add3A_264, %mul3A_263 : i32
      %get3A_266 = arith.index_cast %shift_right_arithmetic3A_258 : i32 to index
      %get3A_267 = arith.index_cast %add3A_265 : i32 to index
      %get3A_268 = tpu.vector_load %arg4[%get3A_266, %get3A_267] {strides = array<i32>} : memref<16x1024xf32, #tpu.memory_space<vmem>>, vector<16xf32>,
      %mul3A_269 = arith.constant 16 : i32
      %mul3A_270 = arith.muli %mul3A_269, %and3A_260 : i32
      %add3A_271 = arith.constant 128 : i32
      %add3A_272 = arith.addi %add3A_271, %mul3A_270 : i32
      %get3A_273 = arith.index_cast %shift_right_arithmetic3A_258 : i32 to index
      %get3A_274 = arith.index_cast %add3A_272 : i32 to index
      %get3A_275 = tpu.vector_load %arg4[%get3A_273, %get3A_274] {strides = array<i32>} : memref<16x1024xf32, #tpu.memory_space<vmem>>, vector<16xf32>,
      %mul3A_276 = arith.constant 16 : i32
      %mul3A_277 = arith.muli %mul3A_276, %and3A_260 : i32
      %add3A_278 = arith.constant 256 : i32
      %add3A_279 = arith.addi %add3A_278, %mul3A_277 : i32
      %get3A_280 = arith.index_cast %shift_right_arithmetic3A_258 : i32 to index
      %get3A_281 = arith.index_cast %add3A_279 : i32 to index
      %get3A_282 = tpu.vector_load %arg4[%get3A_280, %get3A_281] {strides = array<i32>} : memref<16x1024xf32, #tpu.memory_space<vmem>>, vector<16xf32>,
      %mul3A_283 = arith.constant 16 : i32
      %mul3A_284 = arith.muli %mul3A_283, %and3A_260 : i32
      %add3A_285 = arith.constant 384 : i32
      %add3A_286 = arith.addi %add3A_285, %mul3A_284 : i32
      %get3A_287 = arith.index_cast %shift_right_arithmetic3A_258 : i32 to index
      %get3A_288 = arith.index_cast %add3A_286 : i32 to index
      %get3A_289 = tpu.vector_load %arg4[%get3A_287, %get3A_288] {strides = array<i32>} : memref<16x1024xf32, #tpu.memory_space<vmem>>, vector<16xf32>,
      %mul3A_290 = arith.constant 16 : i32
      %mul3A_291 = arith.muli %mul3A_290, %and3A_260 : i32
      %add3A_292 = arith.constant 512 : i32
      %add3A_293 = arith.addi %add3A_292, %mul3A_291 : i32
      %get3A_294 = arith.index_cast %shift_right_arithmetic3A_258 : i32 to index
      %get3A_295 = arith.index_cast %add3A_293 : i32 to index
      %get3A_296 = tpu.vector_load %arg4[%get3A_294, %get3A_295] {strides = array<i32>} : memref<16x1024xf32, #tpu.memory_space<vmem>>, vector<16xf32>,
      %mul3A_297 = arith.constant 16 : i32
      %mul3A_298 = arith.muli %mul3A_297, %and3A_260 : i32
      %add3A_299 = arith.constant 640 : i32
      %add3A_300 = arith.addi %add3A_299, %mul3A_298 : i32
      %get3A_301 = arith.index_cast %shift_right_arithmetic3A_258 : i32 to index
      %get3A_302 = arith.index_cast %add3A_300 : i32 to index
      %get3A_303 = tpu.vector_load %arg4[%get3A_301, %get3A_302] {strides = array<i32>} : memref<16x1024xf32, #tpu.memory_space<vmem>>, vector<16xf32>,
      %mul3A_304 = arith.constant 16 : i32
      %mul3A_305 = arith.muli %mul3A_304, %and3A_260 : i32
      %add3A_306 = arith.constant 768 : i32
      %add3A_307 = arith.addi %add3A_306, %mul3A_305 : i32
      %get3A_308 = arith.index_cast %shift_right_arithmetic3A_258 : i32 to index
      %get3A_309 = arith.index_cast %add3A_307 : i32 to index
      %get3A_310 = tpu.vector_load %arg4[%get3A_308, %get3A_309] {strides = array<i32>} : memref<16x1024xf32, #tpu.memory_space<vmem>>, vector<16xf32>,
      %mul3A_311 = arith.constant 16 : i32
      %mul3A_312 = arith.muli %mul3A_311, %and3A_260 : i32
      %add3A_313 = arith.constant 896 : i32
      %add3A_314 = arith.addi %add3A_313, %mul3A_312 : i32
      %get3A_315 = arith.index_cast %shift_right_arithmetic3A_258 : i32 to index
      %get3A_316 = arith.index_cast %add3A_314 : i32 to index
      %get3A_317 = tpu.vector_load %arg4[%get3A_315, %get3A_316] {strides = array<i32>} : memref<16x1024xf32, #tpu.memory_space<vmem>>, vector<16xf32>,
      %mul3A_318 = arith.constant 128 : i32
      %mul3A_319 = arith.muli %and3A_260, %mul3A_318 : i32
      %add3A_320 = arith.constant 0 : i32
      %add3A_321 = arith.addi %mul3A_319, %add3A_320 : i32
      %add3A_322 = vector.broadcast %add3A_321 : i32 to vector<16xi32>
      %add3A_323 = arith.addi %shift_left3A_92, %add3A_322 : vector<16xi32>
      tpu.vector_store_idx %arg6[%broadcast_in_dim3A_261, %add3A_323], %get3A_268 : memref<16x1024xf32, #tpu.memory_space<vmem>>[vector<16xi32>, vector<16xi32>], vector<16xf32>,
      %mul3A_324 = arith.constant 128 : i32
      %mul3A_325 = arith.muli %and3A_260, %mul3A_324 : i32
      %add3A_326 = arith.constant 1 : i32
      %add3A_327 = arith.addi %mul3A_325, %add3A_326 : i32
      %add3A_328 = vector.broadcast %add3A_327 : i32 to vector<16xi32>
      %add3A_329 = arith.addi %shift_left3A_92, %add3A_328 : vector<16xi32>
      tpu.vector_store_idx %arg6[%broadcast_in_dim3A_261, %add3A_329], %get3A_275 : memref<16x1024xf32, #tpu.memory_space<vmem>>[vector<16xi32>, vector<16xi32>], vector<16xf32>,
      %mul3A_330 = arith.constant 128 : i32
      %mul3A_331 = arith.muli %and3A_260, %mul3A_330 : i32
      %add3A_332 = arith.constant 2 : i32
      %add3A_333 = arith.addi %mul3A_331, %add3A_332 : i32
      %add3A_334 = vector.broadcast %add3A_333 : i32 to vector<16xi32>
      %add3A_335 = arith.addi %shift_left3A_92, %add3A_334 : vector<16xi32>
      tpu.vector_store_idx %arg6[%broadcast_in_dim3A_261, %add3A_335], %get3A_282 : memref<16x1024xf32, #tpu.memory_space<vmem>>[vector<16xi32>, vector<16xi32>], vector<16xf32>,
      %mul3A_336 = arith.constant 128 : i32
      %mul3A_337 = arith.muli %and3A_260, %mul3A_336 : i32
      %add3A_338 = arith.constant 3 : i32
      %add3A_339 = arith.addi %mul3A_337, %add3A_338 : i32
      %add3A_340 = vector.broadcast %add3A_339 : i32 to vector<16xi32>
      %add3A_341 = arith.addi %shift_left3A_92, %add3A_340 : vector<16xi32>
      tpu.vector_store_idx %arg6[%broadcast_in_dim3A_261, %add3A_341], %get3A_289 : memref<16x1024xf32, #tpu.memory_space<vmem>>[vector<16xi32>, vector<16xi32>], vector<16xf32>,
      %mul3A_342 = arith.constant 128 : i32
      %mul3A_343 = arith.muli %and3A_260, %mul3A_342 : i32
      %add3A_344 = arith.constant 4 : i32
      %add3A_345 = arith.addi %mul3A_343, %add3A_344 : i32
      %add3A_346 = vector.broadcast %add3A_345 : i32 to vector<16xi32>
      %add3A_347 = arith.addi %shift_left3A_92, %add3A_346 : vector<16xi32>
      tpu.vector_store_idx %arg6[%broadcast_in_dim3A_261, %add3A_347], %get3A_296 : memref<16x1024xf32, #tpu.memory_space<vmem>>[vector<16xi32>, vector<16xi32>], vector<16xf32>,
      %mul3A_348 = arith.constant 128 : i32
      %mul3A_349 = arith.muli %and3A_260, %mul3A_348 : i32
      %add3A_350 = arith.constant 5 : i32
      %add3A_351 = arith.addi %mul3A_349, %add3A_350 : i32
      %add3A_352 = vector.broadcast %add3A_351 : i32 to vector<16xi32>
      %add3A_353 = arith.addi %shift_left3A_92, %add3A_352 : vector<16xi32>
      tpu.vector_store_idx %arg6[%broadcast_in_dim3A_261, %add3A_353], %get3A_303 : memref<16x1024xf32, #tpu.memory_space<vmem>>[vector<16xi32>, vector<16xi32>], vector<16xf32>,
      %mul3A_354 = arith.constant 128 : i32
      %mul3A_355 = arith.muli %and3A_260, %mul3A_354 : i32
      %add3A_356 = arith.constant 6 : i32
      %add3A_357 = arith.addi %mul3A_355, %add3A_356 : i32
      %add3A_358 = vector.broadcast %add3A_357 : i32 to vector<16xi32>
      %add3A_359 = arith.addi %shift_left3A_92, %add3A_358 : vector<16xi32>
      tpu.vector_store_idx %arg6[%broadcast_in_dim3A_261, %add3A_359], %get3A_310 : memref<16x1024xf32, #tpu.memory_space<vmem>>[vector<16xi32>, vector<16xi32>], vector<16xf32>,
      %mul3A_360 = arith.constant 128 : i32
      %mul3A_361 = arith.muli %and3A_260, %mul3A_360 : i32
      %add3A_362 = arith.constant 7 : i32
      %add3A_363 = arith.addi %mul3A_361, %add3A_362 : i32
      %add3A_364 = vector.broadcast %add3A_363 : i32 to vector<16xi32>
      %add3A_365 = arith.addi %shift_left3A_92, %add3A_364 : vector<16xi32>
      tpu.vector_store_idx %arg6[%broadcast_in_dim3A_261, %add3A_365], %get3A_317 : memref<16x1024xf32, #tpu.memory_space<vmem>>[vector<16xi32>, vector<16xi32>], vector<16xf32>,
      %scan3A_366 = arith.constant 0 : i32
      scf.yield %scan3A_366 : i32
    }
    %scan3A_99 = arith.constant 128 : i32
    %add3A_100 = arith.constant 416 : i32
    %add3A_101 = arith.addi %mul3A_4, %add3A_100 : i32
    %dma_start3A_102 = arith.constant 0 : i32
    %dma_start3A_103 = tpu.memref_slice %arg3[%add3A_101, %dma_start3A_102] : memref<14336x1024xf32, #tpu.memory_space<hbm>> -> memref<16x1024xf32, #tpu.memory_space<hbm>>
    %dma_start3A_104 = arith.constant 0 : i32
    %dma_start3A_105 = tpu.memref_slice %arg3[%add3A_101, %dma_start3A_104] : memref<14336x1024xf32, #tpu.memory_space<hbm>> -> memref<16x1024xf32, #tpu.memory_space<hbm>>
    tpu.enqueue_dma source(%arg6 : memref<16x1024xf32, #tpu.memory_space<vmem>>) target(%dma_start3A_105 : memref<16x1024xf32, #tpu.memory_space<hbm>>) target_semaphore(%arg10 : memref<!tpu.dma_semaphore, #tpu.memory_space<semaphore_mem>>)
    %dma_wait3A_106 = arith.constant 0 : i32
    %dma_wait3A_107 = arith.constant 0 : i32
    %dma_wait3A_108 = tpu.memref_slice %arg2[%dma_wait3A_106, %dma_wait3A_107] : memref<14336x1024xf32, #tpu.memory_space<hbm>> -> memref<16x1024xf32, #tpu.memory_space<hbm>>
    %dma_wait3A_109 = arith.constant 0 : i32
    %dma_wait3A_110 = arith.constant 0 : i32
    %dma_wait3A_111 = tpu.memref_slice %arg2[%dma_wait3A_109, %dma_wait3A_110] : memref<14336x1024xf32, #tpu.memory_space<hbm>> -> memref<16x1024xf32, #tpu.memory_space<hbm>>
    tpu.wait_dma2 semaphore(%arg9 : memref<!tpu.dma_semaphore, #tpu.memory_space<semaphore_mem>>) src(%dma_wait3A_111 : memref<16x1024xf32, #tpu.memory_space<hbm>>) dst(%arg5 : memref<16x1024xf32, #tpu.memory_space<vmem>>)
    %dma_wait3A_112 = arith.constant 0 : i32
    %dma_wait3A_113 = arith.constant 0 : i32
    %dma_wait3A_114 = tpu.memref_slice %arg3[%dma_wait3A_112, %dma_wait3A_113] : memref<14336x1024xf32, #tpu.memory_space<hbm>> -> memref<16x1024xf32, #tpu.memory_space<hbm>>
    %dma_wait3A_115 = arith.constant 0 : i32
    %dma_wait3A_116 = arith.constant 0 : i32
    %dma_wait3A_117 = tpu.memref_slice %arg3[%dma_wait3A_115, %dma_wait3A_116] : memref<14336x1024xf32, #tpu.memory_space<hbm>> -> memref<16x1024xf32, #tpu.memory_space<hbm>>
    tpu.wait_dma2 semaphore(%arg11 : memref<!tpu.dma_semaphore, #tpu.memory_space<semaphore_mem>>) src(%arg7 : memref<16x1024xf32, #tpu.memory_space<vmem>>) dst(%dma_wait3A_117 : memref<16x1024xf32, #tpu.memory_space<hbm>>)
    %iota3A_118 = tpu.iota {dimensions = array<i32: 0>} : vector<16xi32>
    %shift_left3A_119 = arith.constant 3 : i32
    %shift_left3A_120 = vector.broadcast %shift_left3A_119 : i32 to vector<16xi32>
    %shift_left3A_121 = arith.shli %iota3A_118, %shift_left3A_120 : vector<16xi32>
    %scan3A_122 = arith.constant 0 : i32
    %scan3A_123 = arith.constant 0 : i32
    %scan3A_124 = arith.constant 128 : i32
    %scan3A_125 = arith.addi %scan3A_123, %scan3A_124 : i32
    %scan3A_126 = arith.constant 2 : i32
    %scan3A_127 = scf.for %scan3A_147 = %scan3A_123 to %scan3A_125 step %scan3A_126 iter_args(%scan3A_148 = %scan3A_122) -> (i32)  : i32 {
      %shift_right_arithmetic3A = arith.constant 3 : i32
      %shift_right_arithmetic3A_149 = arith.shrsi %scan3A_147, %shift_right_arithmetic3A : i32
      %and3A = arith.constant 7 : i32
      %and3A_150 = arith.andi %scan3A_147, %and3A : i32
      %broadcast_in_dim3A = vector.broadcast %shift_right_arithmetic3A_149 : i32 to vector<16xi32>
      %mul3A_151 = arith.constant 16 : i32
      %mul3A_152 = arith.muli %mul3A_151, %and3A_150 : i32
      %add3A_153 = arith.constant 0 : i32
      %add3A_154 = arith.addi %add3A_153, %mul3A_152 : i32
      %get3A = arith.index_cast %shift_right_arithmetic3A_149 : i32 to index
      %get3A_155 = arith.index_cast %add3A_154 : i32 to index
      %get3A_156 = tpu.vector_load %arg5[%get3A, %get3A_155] {strides = array<i32>} : memref<16x1024xf32, #tpu.memory_space<vmem>>, vector<16xf32>,
      %mul3A_157 = arith.constant 16 : i32
      %mul3A_158 = arith.muli %mul3A_157, %and3A_150 : i32
      %add3A_159 = arith.constant 128 : i32
      %add3A_160 = arith.addi %add3A_159, %mul3A_158 : i32
      %get3A_161 = arith.index_cast %shift_right_arithmetic3A_149 : i32 to index
      %get3A_162 = arith.index_cast %add3A_160 : i32 to index
      %get3A_163 = tpu.vector_load %arg5[%get3A_161, %get3A_162] {strides = array<i32>} : memref<16x1024xf32, #tpu.memory_space<vmem>>, vector<16xf32>,
      %mul3A_164 = arith.constant 16 : i32
      %mul3A_165 = arith.muli %mul3A_164, %and3A_150 : i32
      %add3A_166 = arith.constant 256 : i32
      %add3A_167 = arith.addi %add3A_166, %mul3A_165 : i32
      %get3A_168 = arith.index_cast %shift_right_arithmetic3A_149 : i32 to index
      %get3A_169 = arith.index_cast %add3A_167 : i32 to index
      %get3A_170 = tpu.vector_load %arg5[%get3A_168, %get3A_169] {strides = array<i32>} : memref<16x1024xf32, #tpu.memory_space<vmem>>, vector<16xf32>,
      %mul3A_171 = arith.constant 16 : i32
      %mul3A_172 = arith.muli %mul3A_171, %and3A_150 : i32
      %add3A_173 = arith.constant 384 : i32
      %add3A_174 = arith.addi %add3A_173, %mul3A_172 : i32
      %get3A_175 = arith.index_cast %shift_right_arithmetic3A_149 : i32 to index
      %get3A_176 = arith.index_cast %add3A_174 : i32 to index
      %get3A_177 = tpu.vector_load %arg5[%get3A_175, %get3A_176] {strides = array<i32>} : memref<16x1024xf32, #tpu.memory_space<vmem>>, vector<16xf32>,
      %mul3A_178 = arith.constant 16 : i32
      %mul3A_179 = arith.muli %mul3A_178, %and3A_150 : i32
      %add3A_180 = arith.constant 512 : i32
      %add3A_181 = arith.addi %add3A_180, %mul3A_179 : i32
      %get3A_182 = arith.index_cast %shift_right_arithmetic3A_149 : i32 to index
      %get3A_183 = arith.index_cast %add3A_181 : i32 to index
      %get3A_184 = tpu.vector_load %arg5[%get3A_182, %get3A_183] {strides = array<i32>} : memref<16x1024xf32, #tpu.memory_space<vmem>>, vector<16xf32>,
      %mul3A_185 = arith.constant 16 : i32
      %mul3A_186 = arith.muli %mul3A_185, %and3A_150 : i32
      %add3A_187 = arith.constant 640 : i32
      %add3A_188 = arith.addi %add3A_187, %mul3A_186 : i32
      %get3A_189 = arith.index_cast %shift_right_arithmetic3A_149 : i32 to index
      %get3A_190 = arith.index_cast %add3A_188 : i32 to index
      %get3A_191 = tpu.vector_load %arg5[%get3A_189, %get3A_190] {strides = array<i32>} : memref<16x1024xf32, #tpu.memory_space<vmem>>, vector<16xf32>,
      %mul3A_192 = arith.constant 16 : i32
      %mul3A_193 = arith.muli %mul3A_192, %and3A_150 : i32
      %add3A_194 = arith.constant 768 : i32
      %add3A_195 = arith.addi %add3A_194, %mul3A_193 : i32
      %get3A_196 = arith.index_cast %shift_right_arithmetic3A_149 : i32 to index
      %get3A_197 = arith.index_cast %add3A_195 : i32 to index
      %get3A_198 = tpu.vector_load %arg5[%get3A_196, %get3A_197] {strides = array<i32>} : memref<16x1024xf32, #tpu.memory_space<vmem>>, vector<16xf32>,
      %mul3A_199 = arith.constant 16 : i32
      %mul3A_200 = arith.muli %mul3A_199, %and3A_150 : i32
      %add3A_201 = arith.constant 896 : i32
      %add3A_202 = arith.addi %add3A_201, %mul3A_200 : i32
      %get3A_203 = arith.index_cast %shift_right_arithmetic3A_149 : i32 to index
      %get3A_204 = arith.index_cast %add3A_202 : i32 to index
      %get3A_205 = tpu.vector_load %arg5[%get3A_203, %get3A_204] {strides = array<i32>} : memref<16x1024xf32, #tpu.memory_space<vmem>>, vector<16xf32>,
      %mul3A_206 = arith.constant 128 : i32
      %mul3A_207 = arith.muli %and3A_150, %mul3A_206 : i32
      %add3A_208 = arith.constant 0 : i32
      %add3A_209 = arith.addi %mul3A_207, %add3A_208 : i32
      %add3A_210 = vector.broadcast %add3A_209 : i32 to vector<16xi32>
      %add3A_211 = arith.addi %shift_left3A_121, %add3A_210 : vector<16xi32>
      tpu.vector_store_idx %arg7[%broadcast_in_dim3A, %add3A_211], %get3A_156 : memref<16x1024xf32, #tpu.memory_space<vmem>>[vector<16xi32>, vector<16xi32>], vector<16xf32>,
      %mul3A_212 = arith.constant 128 : i32
      %mul3A_213 = arith.muli %and3A_150, %mul3A_212 : i32
      %add3A_214 = arith.constant 1 : i32
      %add3A_215 = arith.addi %mul3A_213, %add3A_214 : i32
      %add3A_216 = vector.broadcast %add3A_215 : i32 to vector<16xi32>
      %add3A_217 = arith.addi %shift_left3A_121, %add3A_216 : vector<16xi32>
      tpu.vector_store_idx %arg7[%broadcast_in_dim3A, %add3A_217], %get3A_163 : memref<16x1024xf32, #tpu.memory_space<vmem>>[vector<16xi32>, vector<16xi32>], vector<16xf32>,
      %mul3A_218 = arith.constant 128 : i32
      %mul3A_219 = arith.muli %and3A_150, %mul3A_218 : i32
      %add3A_220 = arith.constant 2 : i32
      %add3A_221 = arith.addi %mul3A_219, %add3A_220 : i32
      %add3A_222 = vector.broadcast %add3A_221 : i32 to vector<16xi32>
      %add3A_223 = arith.addi %shift_left3A_121, %add3A_222 : vector<16xi32>
      tpu.vector_store_idx %arg7[%broadcast_in_dim3A, %add3A_223], %get3A_170 : memref<16x1024xf32, #tpu.memory_space<vmem>>[vector<16xi32>, vector<16xi32>], vector<16xf32>,
      %mul3A_224 = arith.constant 128 : i32
      %mul3A_225 = arith.muli %and3A_150, %mul3A_224 : i32
      %add3A_226 = arith.constant 3 : i32
      %add3A_227 = arith.addi %mul3A_225, %add3A_226 : i32
      %add3A_228 = vector.broadcast %add3A_227 : i32 to vector<16xi32>
      %add3A_229 = arith.addi %shift_left3A_121, %add3A_228 : vector<16xi32>
      tpu.vector_store_idx %arg7[%broadcast_in_dim3A, %add3A_229], %get3A_177 : memref<16x1024xf32, #tpu.memory_space<vmem>>[vector<16xi32>, vector<16xi32>], vector<16xf32>,
      %mul3A_230 = arith.constant 128 : i32
      %mul3A_231 = arith.muli %and3A_150, %mul3A_230 : i32
      %add3A_232 = arith.constant 4 : i32
      %add3A_233 = arith.addi %mul3A_231, %add3A_232 : i32
      %add3A_234 = vector.broadcast %add3A_233 : i32 to vector<16xi32>
      %add3A_235 = arith.addi %shift_left3A_121, %add3A_234 : vector<16xi32>
      tpu.vector_store_idx %arg7[%broadcast_in_dim3A, %add3A_235], %get3A_184 : memref<16x1024xf32, #tpu.memory_space<vmem>>[vector<16xi32>, vector<16xi32>], vector<16xf32>,
      %mul3A_236 = arith.constant 128 : i32
      %mul3A_237 = arith.muli %and3A_150, %mul3A_236 : i32
      %add3A_238 = arith.constant 5 : i32
      %add3A_239 = arith.addi %mul3A_237, %add3A_238 : i32
      %add3A_240 = vector.broadcast %add3A_239 : i32 to vector<16xi32>
      %add3A_241 = arith.addi %shift_left3A_121, %add3A_240 : vector<16xi32>
      tpu.vector_store_idx %arg7[%broadcast_in_dim3A, %add3A_241], %get3A_191 : memref<16x1024xf32, #tpu.memory_space<vmem>>[vector<16xi32>, vector<16xi32>], vector<16xf32>,
      %mul3A_242 = arith.constant 128 : i32
      %mul3A_243 = arith.muli %and3A_150, %mul3A_242 : i32
      %add3A_244 = arith.constant 6 : i32
      %add3A_245 = arith.addi %mul3A_243, %add3A_244 : i32
      %add3A_246 = vector.broadcast %add3A_245 : i32 to vector<16xi32>
      %add3A_247 = arith.addi %shift_left3A_121, %add3A_246 : vector<16xi32>
      tpu.vector_store_idx %arg7[%broadcast_in_dim3A, %add3A_247], %get3A_198 : memref<16x1024xf32, #tpu.memory_space<vmem>>[vector<16xi32>, vector<16xi32>], vector<16xf32>,
      %mul3A_248 = arith.constant 128 : i32
      %mul3A_249 = arith.muli %and3A_150, %mul3A_248 : i32
      %add3A_250 = arith.constant 7 : i32
      %add3A_251 = arith.addi %mul3A_249, %add3A_250 : i32
      %add3A_252 = vector.broadcast %add3A_251 : i32 to vector<16xi32>
      %add3A_253 = arith.addi %shift_left3A_121, %add3A_252 : vector<16xi32>
      tpu.vector_store_idx %arg7[%broadcast_in_dim3A, %add3A_253], %get3A_205 : memref<16x1024xf32, #tpu.memory_space<vmem>>[vector<16xi32>, vector<16xi32>], vector<16xf32>,
      %scan3A_254 = arith.constant 0 : i32
      %scan3A_255 = arith.constant 1 : i32
      %scan3A_256 = arith.addi %scan3A_147, %scan3A_255 : i32
      %shift_right_arithmetic3A_257 = arith.constant 3 : i32
      %shift_right_arithmetic3A_258 = arith.shrsi %scan3A_256, %shift_right_arithmetic3A_257 : i32
      %and3A_259 = arith.constant 7 : i32
      %and3A_260 = arith.andi %scan3A_256, %and3A_259 : i32
      %broadcast_in_dim3A_261 = vector.broadcast %shift_right_arithmetic3A_258 : i32 to vector<16xi32>
      %mul3A_262 = arith.constant 16 : i32
      %mul3A_263 = arith.muli %mul3A_262, %and3A_260 : i32
      %add3A_264 = arith.constant 0 : i32
      %add3A_265 = arith.addi %add3A_264, %mul3A_263 : i32
      %get3A_266 = arith.index_cast %shift_right_arithmetic3A_258 : i32 to index
      %get3A_267 = arith.index_cast %add3A_265 : i32 to index
      %get3A_268 = tpu.vector_load %arg5[%get3A_266, %get3A_267] {strides = array<i32>} : memref<16x1024xf32, #tpu.memory_space<vmem>>, vector<16xf32>,
      %mul3A_269 = arith.constant 16 : i32
      %mul3A_270 = arith.muli %mul3A_269, %and3A_260 : i32
      %add3A_271 = arith.constant 128 : i32
      %add3A_272 = arith.addi %add3A_271, %mul3A_270 : i32
      %get3A_273 = arith.index_cast %shift_right_arithmetic3A_258 : i32 to index
      %get3A_274 = arith.index_cast %add3A_272 : i32 to index
      %get3A_275 = tpu.vector_load %arg5[%get3A_273, %get3A_274] {strides = array<i32>} : memref<16x1024xf32, #tpu.memory_space<vmem>>, vector<16xf32>,
      %mul3A_276 = arith.constant 16 : i32
      %mul3A_277 = arith.muli %mul3A_276, %and3A_260 : i32
      %add3A_278 = arith.constant 256 : i32
      %add3A_279 = arith.addi %add3A_278, %mul3A_277 : i32
      %get3A_280 = arith.index_cast %shift_right_arithmetic3A_258 : i32 to index
      %get3A_281 = arith.index_cast %add3A_279 : i32 to index
      %get3A_282 = tpu.vector_load %arg5[%get3A_280, %get3A_281] {strides = array<i32>} : memref<16x1024xf32, #tpu.memory_space<vmem>>, vector<16xf32>,
      %mul3A_283 = arith.constant 16 : i32
      %mul3A_284 = arith.muli %mul3A_283, %and3A_260 : i32
      %add3A_285 = arith.constant 384 : i32
      %add3A_286 = arith.addi %add3A_285, %mul3A_284 : i32
      %get3A_287 = arith.index_cast %shift_right_arithmetic3A_258 : i32 to index
      %get3A_288 = arith.index_cast %add3A_286 : i32 to index
      %get3A_289 = tpu.vector_load %arg5[%get3A_287, %get3A_288] {strides = array<i32>} : memref<16x1024xf32, #tpu.memory_space<vmem>>, vector<16xf32>,
      %mul3A_290 = arith.constant 16 : i32
      %mul3A_291 = arith.muli %mul3A_290, %and3A_260 : i32
      %add3A_292 = arith.constant 512 : i32
      %add3A_293 = arith.addi %add3A_292, %mul3A_291 : i32
      %get3A_294 = arith.index_cast %shift_right_arithmetic3A_258 : i32 to index
      %get3A_295 = arith.index_cast %add3A_293 : i32 to index
      %get3A_296 = tpu.vector_load %arg5[%get3A_294, %get3A_295] {strides = array<i32>} : memref<16x1024xf32, #tpu.memory_space<vmem>>, vector<16xf32>,
      %mul3A_297 = arith.constant 16 : i32
      %mul3A_298 = arith.muli %mul3A_297, %and3A_260 : i32
      %add3A_299 = arith.constant 640 : i32
      %add3A_300 = arith.addi %add3A_299, %mul3A_298 : i32
      %get3A_301 = arith.index_cast %shift_right_arithmetic3A_258 : i32 to index
      %get3A_302 = arith.index_cast %add3A_300 : i32 to index
      %get3A_303 = tpu.vector_load %arg5[%get3A_301, %get3A_302] {strides = array<i32>} : memref<16x1024xf32, #tpu.memory_space<vmem>>, vector<16xf32>,
      %mul3A_304 = arith.constant 16 : i32
      %mul3A_305 = arith.muli %mul3A_304, %and3A_260 : i32
      %add3A_306 = arith.constant 768 : i32
      %add3A_307 = arith.addi %add3A_306, %mul3A_305 : i32
      %get3A_308 = arith.index_cast %shift_right_arithmetic3A_258 : i32 to index
      %get3A_309 = arith.index_cast %add3A_307 : i32 to index
      %get3A_310 = tpu.vector_load %arg5[%get3A_308, %get3A_309] {strides = array<i32>} : memref<16x1024xf32, #tpu.memory_space<vmem>>, vector<16xf32>,
      %mul3A_311 = arith.constant 16 : i32
      %mul3A_312 = arith.muli %mul3A_311, %and3A_260 : i32
      %add3A_313 = arith.constant 896 : i32
      %add3A_314 = arith.addi %add3A_313, %mul3A_312 : i32
      %get3A_315 = arith.index_cast %shift_right_arithmetic3A_258 : i32 to index
      %get3A_316 = arith.index_cast %add3A_314 : i32 to index
      %get3A_317 = tpu.vector_load %arg5[%get3A_315, %get3A_316] {strides = array<i32>} : memref<16x1024xf32, #tpu.memory_space<vmem>>, vector<16xf32>,
      %mul3A_318 = arith.constant 128 : i32
      %mul3A_319 = arith.muli %and3A_260, %mul3A_318 : i32
      %add3A_320 = arith.constant 0 : i32
      %add3A_321 = arith.addi %mul3A_319, %add3A_320 : i32
      %add3A_322 = vector.broadcast %add3A_321 : i32 to vector<16xi32>
      %add3A_323 = arith.addi %shift_left3A_121, %add3A_322 : vector<16xi32>
      tpu.vector_store_idx %arg7[%broadcast_in_dim3A_261, %add3A_323], %get3A_268 : memref<16x1024xf32, #tpu.memory_space<vmem>>[vector<16xi32>, vector<16xi32>], vector<16xf32>,
      %mul3A_324 = arith.constant 128 : i32
      %mul3A_325 = arith.muli %and3A_260, %mul3A_324 : i32
      %add3A_326 = arith.constant 1 : i32
      %add3A_327 = arith.addi %mul3A_325, %add3A_326 : i32
      %add3A_328 = vector.broadcast %add3A_327 : i32 to vector<16xi32>
      %add3A_329 = arith.addi %shift_left3A_121, %add3A_328 : vector<16xi32>
      tpu.vector_store_idx %arg7[%broadcast_in_dim3A_261, %add3A_329], %get3A_275 : memref<16x1024xf32, #tpu.memory_space<vmem>>[vector<16xi32>, vector<16xi32>], vector<16xf32>,
      %mul3A_330 = arith.constant 128 : i32
      %mul3A_331 = arith.muli %and3A_260, %mul3A_330 : i32
      %add3A_332 = arith.constant 2 : i32
      %add3A_333 = arith.addi %mul3A_331, %add3A_332 : i32
      %add3A_334 = vector.broadcast %add3A_333 : i32 to vector<16xi32>
      %add3A_335 = arith.addi %shift_left3A_121, %add3A_334 : vector<16xi32>
      tpu.vector_store_idx %arg7[%broadcast_in_dim3A_261, %add3A_335], %get3A_282 : memref<16x1024xf32, #tpu.memory_space<vmem>>[vector<16xi32>, vector<16xi32>], vector<16xf32>,
      %mul3A_336 = arith.constant 128 : i32
      %mul3A_337 = arith.muli %and3A_260, %mul3A_336 : i32
      %add3A_338 = arith.constant 3 : i32
      %add3A_339 = arith.addi %mul3A_337, %add3A_338 : i32
      %add3A_340 = vector.broadcast %add3A_339 : i32 to vector<16xi32>
      %add3A_341 = arith.addi %shift_left3A_121, %add3A_340 : vector<16xi32>
      tpu.vector_store_idx %arg7[%broadcast_in_dim3A_261, %add3A_341], %get3A_289 : memref<16x1024xf32, #tpu.memory_space<vmem>>[vector<16xi32>, vector<16xi32>], vector<16xf32>,
      %mul3A_342 = arith.constant 128 : i32
      %mul3A_343 = arith.muli %and3A_260, %mul3A_342 : i32
      %add3A_344 = arith.constant 4 : i32
      %add3A_345 = arith.addi %mul3A_343, %add3A_344 : i32
      %add3A_346 = vector.broadcast %add3A_345 : i32 to vector<16xi32>
      %add3A_347 = arith.addi %shift_left3A_121, %add3A_346 : vector<16xi32>
      tpu.vector_store_idx %arg7[%broadcast_in_dim3A_261, %add3A_347], %get3A_296 : memref<16x1024xf32, #tpu.memory_space<vmem>>[vector<16xi32>, vector<16xi32>], vector<16xf32>,
      %mul3A_348 = arith.constant 128 : i32
      %mul3A_349 = arith.muli %and3A_260, %mul3A_348 : i32
      %add3A_350 = arith.constant 5 : i32
      %add3A_351 = arith.addi %mul3A_349, %add3A_350 : i32
      %add3A_352 = vector.broadcast %add3A_351 : i32 to vector<16xi32>
      %add3A_353 = arith.addi %shift_left3A_121, %add3A_352 : vector<16xi32>
      tpu.vector_store_idx %arg7[%broadcast_in_dim3A_261, %add3A_353], %get3A_303 : memref<16x1024xf32, #tpu.memory_space<vmem>>[vector<16xi32>, vector<16xi32>], vector<16xf32>,
      %mul3A_354 = arith.constant 128 : i32
      %mul3A_355 = arith.muli %and3A_260, %mul3A_354 : i32
      %add3A_356 = arith.constant 6 : i32
      %add3A_357 = arith.addi %mul3A_355, %add3A_356 : i32
      %add3A_358 = vector.broadcast %add3A_357 : i32 to vector<16xi32>
      %add3A_359 = arith.addi %shift_left3A_121, %add3A_358 : vector<16xi32>
      tpu.vector_store_idx %arg7[%broadcast_in_dim3A_261, %add3A_359], %get3A_310 : memref<16x1024xf32, #tpu.memory_space<vmem>>[vector<16xi32>, vector<16xi32>], vector<16xf32>,
      %mul3A_360 = arith.constant 128 : i32
      %mul3A_361 = arith.muli %and3A_260, %mul3A_360 : i32
      %add3A_362 = arith.constant 7 : i32
      %add3A_363 = arith.addi %mul3A_361, %add3A_362 : i32
      %add3A_364 = vector.broadcast %add3A_363 : i32 to vector<16xi32>
      %add3A_365 = arith.addi %shift_left3A_121, %add3A_364 : vector<16xi32>
      tpu.vector_store_idx %arg7[%broadcast_in_dim3A_261, %add3A_365], %get3A_317 : memref<16x1024xf32, #tpu.memory_space<vmem>>[vector<16xi32>, vector<16xi32>], vector<16xf32>,
      %scan3A_366 = arith.constant 0 : i32
      scf.yield %scan3A_366 : i32
    }
    %scan3A_128 = arith.constant 128 : i32
    %add3A_129 = arith.constant 432 : i32
    %add3A_130 = arith.addi %mul3A_4, %add3A_129 : i32
    %dma_start3A_131 = arith.constant 0 : i32
    %dma_start3A_132 = tpu.memref_slice %arg3[%add3A_130, %dma_start3A_131] : memref<14336x1024xf32, #tpu.memory_space<hbm>> -> memref<16x1024xf32, #tpu.memory_space<hbm>>
    %dma_start3A_133 = arith.constant 0 : i32
    %dma_start3A_134 = tpu.memref_slice %arg3[%add3A_130, %dma_start3A_133] : memref<14336x1024xf32, #tpu.memory_space<hbm>> -> memref<16x1024xf32, #tpu.memory_space<hbm>>
    tpu.enqueue_dma source(%arg7 : memref<16x1024xf32, #tpu.memory_space<vmem>>) target(%dma_start3A_134 : memref<16x1024xf32, #tpu.memory_space<hbm>>) target_semaphore(%arg11 : memref<!tpu.dma_semaphore, #tpu.memory_space<semaphore_mem>>)
    %dma_wait3A_135 = arith.constant 0 : i32
    %dma_wait3A_136 = arith.constant 0 : i32
    %dma_wait3A_137 = tpu.memref_slice %arg3[%dma_wait3A_135, %dma_wait3A_136] : memref<14336x1024xf32, #tpu.memory_space<hbm>> -> memref<16x1024xf32, #tpu.memory_space<hbm>>
    %dma_wait3A_138 = arith.constant 0 : i32
    %dma_wait3A_139 = arith.constant 0 : i32
    %dma_wait3A_140 = tpu.memref_slice %arg3[%dma_wait3A_138, %dma_wait3A_139] : memref<14336x1024xf32, #tpu.memory_space<hbm>> -> memref<16x1024xf32, #tpu.memory_space<hbm>>
    tpu.wait_dma2 semaphore(%arg10 : memref<!tpu.dma_semaphore, #tpu.memory_space<semaphore_mem>>) src(%arg6 : memref<16x1024xf32, #tpu.memory_space<vmem>>) dst(%dma_wait3A_140 : memref<16x1024xf32, #tpu.memory_space<hbm>>)
    %dma_wait3A_141 = arith.constant 0 : i32
    %dma_wait3A_142 = arith.constant 0 : i32
    %dma_wait3A_143 = tpu.memref_slice %arg3[%dma_wait3A_141, %dma_wait3A_142] : memref<14336x1024xf32, #tpu.memory_space<hbm>> -> memref<16x1024xf32, #tpu.memory_space<hbm>>
    %dma_wait3A_144 = arith.constant 0 : i32
    %dma_wait3A_145 = arith.constant 0 : i32
    %dma_wait3A_146 = tpu.memref_slice %arg3[%dma_wait3A_144, %dma_wait3A_145] : memref<14336x1024xf32, #tpu.memory_space<hbm>> -> memref<16x1024xf32, #tpu.memory_space<hbm>>
    tpu.wait_dma2 semaphore(%arg11 : memref<!tpu.dma_semaphore, #tpu.memory_space<semaphore_mem>>) src(%arg7 : memref<16x1024xf32, #tpu.memory_space<vmem>>) dst(%dma_wait3A_146 : memref<16x1024xf32, #tpu.memory_space<hbm>>)
    return
  }
}

</mosaic_0001>

<sc_bundles>
// kernel: kernel.3.cloned.1.call-start
scs
__scs_entry_jumppad:
0x0: {  	(pc) =	sbr.rel $0x88, $3  }
0x1: {  	(tag) =	ssettag $0x0;
	lr =	simm.s32 $0x1  }
0x2: {  	[smem:$0x3FA0] =	sst lr;
	_ =	strace $0xD0000000  }
0x3: {  	_ = 	snop  }
0x4: {  	_ = 	snop  }
0x5: {  	_ = 	snop  }
0x6: {  	_ = 	snop  }
0x7: {  	_ = 	snop  }
__scs_overlays_trampoline_lowered:
0x8: {  	[smem:$0x3FAF] =	sst s0  }
0x9: {  	[smem:$0x3FB0] =	sst s1  }
0xa: {  	[smem:$0x3FB1] =	sst s2  }
0xb: {  	[smem:$0x3FB2] =	sst s3  }
0xc: {  	[smem:$0x3FB3] =	sst s4  }
0xd: {  	[smem:$0x3FB4] =	sst s5  }
0xe: {  	[smem:$0x3FB5] =	sst s6  }
0xf: {  	[smem:$0x3FB6] =	sst s7  }
0x10: {  	[smem:$0x3FB7] =	sst s8  }
0x11: {  	[smem:$0x3FB8] =	sst s9;
	s0 =	simm.s32 @!p0 $0x0  }
0x12: {  	s1 =	sld [smem:$0x3F9E];
	s0 =	simm.s32 @p0 $0x1  }
0x13: {  	[smem:$0x3FB9] =	sst s0;
	s0 =	simm.s32 @!p1 $0x0  }
0x14: {  	s2 =	sld [smem:$0x3F9D];
	s0 =	simm.s32 @p1 $0x1  }
0x15: {  	[smem:$0x3FBA] =	sst s0;
	s0 =	simm.s32 @!p2 $0x0  }
0x16: {  	s3 =	sld [smem:$0x3FDB];
	s0 =	simm.s32 @p2 $0x1  }
0x17: {  	s4 =	simm.s32 $0x1BF5;
	[smem:$0x3FBC] =	sst s0  }
0x18: {  	s0 =	sld [smem:$0x3F9F];
	_ =	swait.ge [sflag:s4], $0x0  }
0x19: {  	s7 =	sld [smem:$0x3FA0]  }
0x1a: {  	s8 =	sadd.s32 $0xFFFFE003, lr  }
0x1b: {  	s9 =	sadd.s32 $0xFFFFFEF7, lr;
	s5 =	simm.s32 $0xFFFFFFFF;
	p2 =	slt.u32 s8, $0xFFFFF086  }
0x1c: {  	p1 =	slt.u32 s9, $0xF7A;
	s5 =	simm.s32 @!p2 $0x0  }
0x1d: {  	s5 =	simm.s32 @p1 $0x1;
	p0 =	seq.s32 s7, s2  }
0x1e: {  	s7 =	smul.u32 @!p0 $0xF7A, s2;
	p2 =	seq.s32 @!p0 s5, $0x0  }
0x1f: {  	s9 =	smul.u32 $0xF7A, s1;
	s8 =	simm.s32 @!p0 $0x1BF5;
	p2 =	por !p2, p0  }
0x20: {  	[sflag:s8] =	ssyncset.s32 @!p0 $0xFFFFF086;
	s6 =	sadd.s32 @!p0 s3, s7;
	s7 =	simm.s32 @!p0 $0x108  }
0x21: {  	s3 =	sadd.s32 s3, s9;
	s6 =	sadd.s32 @!p0 $0x88, s6;
	s7 =	simm.s32 @p2 $0x1082  }
0x22: {  	[simem:s7], [sflag:s8] =	dma.local @!p0 [hbm:s6], $0xF7A  }
0x23: {  	s9 =	sor.u32 $0xD0000000, s2;
	s6 =	simm.s32 $0x108;
	_ =	swait.ge @!p0 [sflag:s8], $0x0  }
0x24: {  	s3 =	sadd.s32 $0x88, s3;
	s6 =	simm.s32 @!p1 $0x1082;
	[sflag:s4] =	ssyncset.s32 $0xFFFFF086  }
0x25: {  	[simem:s6], [sflag:s4] =	dma.local [hbm:s3], $0xF7A  }
0x26: {  	[smem:$0x3FA0] =	sst s1;
	(tag) =	ssettag s2;
	_ =	strace s9  }
0x27: {  	s1 =	sld [smem:$0x3FB0]  }
0x28: {  	s2 =	sld [smem:$0x3FB1]  }
0x29: {  	s4 =	sld [smem:$0x3FB3]  }
0x2a: {  	p0 =	seq.s32 s5, $0x0;
	s5 =	sld [smem:$0x3FB4]  }
0x2b: {  	s6 =	sld [smem:$0x3FB5]  }
0x2c: {  	s7 =	sld [smem:$0x3FB6]  }
0x2d: {  	s3 =	simm.s32 $0x108;
	s8 =	sld [smem:$0x3FB7]  }
0x2e: {  	s3 =	simm.s32 @!p0 $0x1082;
	s9 =	sld [smem:$0x3FB8]  }
0x2f: {  	lr =	sadd.s32 s0, s3;
	s0 =	sld [smem:$0x3FAF]  }
0x30: {  	s3 =	sld [smem:$0x3FB2]  }
0x31: {  	[smem:$0x3FBB] =	sst s10  }
0x32: {  	s10 =	sld [smem:$0x3FB9];
	_ =	sdelay $0x3  }
0x33: {  	p0 =	seq.s32 s10, $0x1;
	s10 =	sld [smem:$0x3FBB];
	_ =	sdelay $0x3  }
0x34: {  	[smem:$0x3FBB] =	sst s10  }
0x35: {  	s10 =	sld [smem:$0x3FBA];
	_ =	sdelay $0x3  }
0x36: {  	p1 =	seq.s32 s10, $0x1;
	s10 =	sld [smem:$0x3FBB];
	_ =	sdelay $0x3  }
0x37: {  	[smem:$0x3FBB] =	sst s10  }
0x38: {  	s10 =	sld [smem:$0x3FBC]  }
0x39: {  	_ = 	snop;
	(pc) =	sbr.ind lr, $3  }
0x3a: {  	_ = 	snop  }
0x3b: {  	_ = 	snop  }
0x3c: {  	p2 =	seq.s32 s10, $0x1;
	s10 =	sld [smem:$0x3FBB]  }
0x3d: {  	_ =	shalt  }
0x3e: {  	_ =	shalt  }
0x3f: {  	_ =	shalt  }
0x40: {  	_ =	shalt  }
0x41: {  	_ =	shalt  }
0x42: {  	_ =	shalt  }
0x43: {  	_ =	shalt  }
0x44: {  	_ =	shalt  }
0x45: {  	_ =	shalt  }
0x46: {  	_ =	shalt  }
0x47: {  	_ =	shalt  }
0x48: {  	_ =	shalt  }
0x49: {  	_ =	shalt  }
0x4a: {  	_ =	shalt  }
0x4b: {  	_ =	shalt  }
0x4c: {  	_ =	shalt  }
0x4d: {  	_ =	shalt  }
0x4e: {  	_ =	shalt  }
0x4f: {  	_ =	shalt  }
0x50: {  	_ =	shalt  }
0x51: {  	_ =	shalt  }
0x52: {  	_ =	shalt  }
0x53: {  	_ =	shalt  }
0x54: {  	_ =	shalt  }
0x55: {  	_ =	shalt  }
0x56: {  	_ =	shalt  }
0x57: {  	_ =	shalt  }
0x58: {  	_ =	shalt  }
0x59: {  	_ =	shalt  }
0x5a: {  	_ =	shalt  }
0x5b: {  	_ =	shalt  }
0x5c: {  	_ =	shalt  }
0x5d: {  	_ =	shalt  }
0x5e: {  	_ =	shalt  }
0x5f: {  	_ =	shalt  }
0x60: {  	_ =	shalt  }
0x61: {  	_ =	shalt  }
0x62: {  	_ =	shalt  }
0x63: {  	_ =	shalt  }
0x64: {  	_ =	shalt  }
0x65: {  	_ =	shalt  }
0x66: {  	_ =	shalt  }
0x67: {  	_ =	shalt  }
0x68: {  	_ =	shalt  }
0x69: {  	_ =	shalt  }
0x6a: {  	_ =	shalt  }
0x6b: {  	_ =	shalt  }
0x6c: {  	_ =	shalt  }
0x6d: {  	_ =	shalt  }
0x6e: {  	_ =	shalt  }
0x6f: {  	_ =	shalt  }
0x70: {  	_ =	shalt  }
0x71: {  	_ =	shalt  }
0x72: {  	_ =	shalt  }
0x73: {  	_ =	shalt  }
0x74: {  	_ =	shalt  }
0x75: {  	_ =	shalt  }
0x76: {  	_ =	shalt  }
0x77: {  	_ =	shalt  }
0x78: {  	_ =	shalt  }
0x79: {  	_ =	shalt  }
0x7a: {  	_ =	shalt  }
0x7b: {  	_ =	shalt  }
0x7c: {  	_ =	shalt  }
0x7d: {  	_ =	shalt  }
0x7e: {  	_ =	shalt  }
0x7f: {  	_ =	shalt  }
0x80: {  	_ =	shalt  }
0x81: {  	_ =	shalt  }
0x82: {  	_ =	shalt  }
0x83: {  	_ =	shalt  }
0x84: {  	_ =	shalt  }
0x85: {  	_ =	shalt  }
0x86: {  	_ =	shalt  }
0x87: {  	_ =	shalt  }
.Lfunc_end0:
.L_simem_size_0:
called_computation_lowered:
.L_overlay_start_0:
0x88: {  	s2 =	sld [smem:$0x3FD9]  }
0x89: {  	s3 =	sld [smem:$0x3FFE];
	_ =	sdelay $0x1  }
0x8a: {  	s1 =	srdreg.scid  }
0x8b: {  	s0 =	sand.u32 $0x1, s1  }
0x8c: {  	s18 =	sshll.u32 s0, $0xA;
	s2 =	sadd.s32 s3, s2  }
0x8d: {  	s2 =	sadd.s32 s2, s18  }
0x8e: {  	[smem:$0x3FC7] =	sst s2  }
0x8f: {  	_ = 	snop  }
0x90: {  	s2 =	sld [smem:$0x3FC9]  }
0x91: {  	s19 =	sld [smem:$0x3FD0];
	(tm) =	ssettm $0x1  }
0x92: {  	s4 =	sld [smem:$0x3FFB];
	_ =	sdelay $0x3  }
0x93: {  	_ =	strace s4  }
0x94: {  	s4 =	sld [smem:$0x3FFC];
	_ =	sdelay $0x3  }
0x95: {  	_ =	strace s4  }
0x96: {  	s4 =	sld [smem:$0x3FFD];
	_ =	sdelay $0x3  }
0x97: {  	_ =	strace s4  }
0x98: {  	_ =	strace $0x8FFFFFFF  }
0x99: {  	s20 =	sld [smem:$0x3FDB];
	_ =	sdelay $0x1  }
0x9a: {  	s5 =	simm.s32 $_scs_section_size  }
0x9b: {  	s6 =	simm.s32 $_size__tile_overlayer_lowered;
	s7 =	simm.s32 $_tile_overlayer_lowered  }
0x9c: {  	s23 =	simm.s32 $0x1BFF;
	s22 =	sshll.u32 s7, $0x1;
	s4 =	sadd.s32 s5, s20  }
0x9d: {  	s8 =	simm.s32 $0x0;
	s21 =	sshll.u32 s6, $0x1;
	s6 =	sadd.s32 s22, s4  }
0x9e: {  	[timem:s8], [sflag:s23] =	dma.local [hbm:s6], s21  }
0x9f: {  	_ =	swait.ge [sflag:s23], s21  }
0xa0: {  	s5 =	ssub.s32 $0x0, s21;
	[sflag:s23] =	ssyncset.done $0x0  }
0xa1: {  	[sflag:s23] =	ssyncadd.s32 s5;
	_ =	sdelay $0x1  }
0xa2: {  	s24 =	simm.s32 $0x1B8B  }
0xa3: {  	_ =	swait.ge [sflag:s24], $0x1  }
0xa4: {  	[sflag:s24] =	ssyncset.done $0x0  }
0xa5: {  	s25 =	simm.s32 $0x1B8E;
	[sflag:s24] =	ssyncadd.s32 $0xFFFFFFFF  }
0xa6: {  	s26 =	simm.s32 $execute0_lowered;
	[smem:$0x3FD2] =	sst s25  }
0xa7: {  	s5 =	sshll.u32 s26, $0x1;
	_ =	strace $0x80000046;
	[dreg:$0x1] =	wrdreg $0xFFFFFFFF  }
0xa8: {  	s28 =	simm.s32 $_size_execute0_lowered;
	s4 =	sadd.s32 s4, s5;
	[dreg:$0x0] =	wrdreg $0x0  }
0xa9: {  	s5 =	sshll.u32 s28, $0x1;
	[dreg:$0x2] =	wrdreg s4  }
0xaa: {  	[dreg:$0x3] =	wrdreg s5  }
0xab: {  	[dreg:$0x4] =	wrdreg $0xC0  }
0xac: {  	_ =	task [dreg:s8], $0x5FFFF  }
0xad: {  	[dreg:$0x1] =	wrdreg $0xFFFFFFFF  }
0xae: {  	[dreg:$0x0] =	wrdreg $0x60  }
0xaf: {  	[dreg:$0x2] =	wrdreg s2  }
0xb0: {  	[dreg:$0x3] =	wrdreg s19  }
0xb1: {  	[dreg:$0x4] =	wrdreg $0x9  }
0xb2: {  	_ =	task.clear_ibuf [dreg:s8], $0x5FFFF;
	_ =	strace $0x90000046  }
0xb3: {  	s29 =	simm.s32 $0x9;
	_ =	strace $0x80000048  }
0xb4: {  	_ =	swait.ge [sflag:s29], $0x1  }
0xb5: {  	[sflag:s29] =	ssyncadd.s32 $0xFFFFFFFF  }
0xb6: {  	_ =	strace $0x90000048  }
0xb7: {  	_ =	sfence  }
0xb8: {  	s30 =	sld [smem:$0x0];
	_ =	sdelay $0x2  }
0xb9: {  	s31 =	sshll.u32 s1, $0xD;
	s1 =	sshrl.u32 s1, $0x2  }
0xba: {  	s3 =	sand.u32 $0x4000, s31;
	s1 =	sadd.s32 s1, s30  }
0xbb: {  	s0 =	sor.u32 s3, s0;
	s1 =	sshll.u32 s1, $0x11  }
0xbc: {  	s0 =	sor.u32 s1, s0  }
0xbd: {  	s0 =	sadd.s32 $0x8F2B, s0  }
0xbe: {  	[sflag:s0] =	ssyncadd.remote.s32 $0x1  }
0xbf: {  	_ =	sfence.sel $0xFFFF  }
0xc0: {  	[dreg:$0x0] =	wrdreg $0xFFFFFFFF;
	(pc) =	sbr.abs _section_cstart, $3  }
0xc1: {  	[dreg:$0x1] =	wrdreg $0xFFFFFFFF  }
0xc2: {  	_ =	task.clear_ibuf [dreg:s8], $0x2FFFF;
	_ =	strace $0x9FFFFFFF  }
0xc3: {  	(tm) =	ssettm $0x7FFFFFFF  }
tec
execute0_lowered:
.L_overlay_start_1:
0x0: {  	(tag) =	ssettag $0x1  }
0x1: {  	s2 =	rddreg [dreg:$0x0]  }
0x2: {  	s3 =	rddreg [dreg:$0x1];
	s0 =	srdreg.scid  }
0x3: {  	s1 =	stileid.u32;
	s4 =	simm.s32 $0x0;
	s18 =	simm.s32 $0x4000  }
0x4: {  	s19 =	simm.s32 $0x1;
	s20 =	simm.s32 $0x8000;
	s21 =	simm.s32 $0x2  }
0x5: {  	s22 =	simm.s32 $0xC000;
	s0 =	sand.u32 $0x1, s0;
	s5 =	sshll.u32 s1, $0x1  }
0x6: {  	s23 =	simm.s32 $0x3;
	s6 =	ssub.s32 $0x2, s0;
	s0 =	sor.u32 s0, s5  }
0x7: {  	s24 =	simm.s32 $0x4;
	s25 =	simm.s32 $0x0;
	s8 =	smul.u32 $0xE000, s0  }
0x8: {  	[smem:$0x7FF] =	sst s4;
	s26 =	sshrl.u32 s6, $0x1;
	s14 =	smul.u32 $0x1C0, s0  }
0x9: {  	_ =	strace $0x80000047;
	s17 =	ssub.s32 s6, s26;
	s6 =	smul.u32 $0x70000, s0  }
0xa: {  	v0 =	vlaneseq.u32;
	s5 =	sadd.s32 s2, s8;
	s10 =	sor.u32 $0x800, s8;
	s29 =	sadd.s32 s3, s8  }
0xb: {  	v0 =	vmul.u32 $0x8, v0;
	s12 =	sor.u32 $0x20, s14;
	s13 =	sor.u32 $0x10, s14;
	s14 =	sor.u32 $0x30, s14  }
0xc: {  	v1 =	vimm.s32 $0x0;
	vm0 =	vcmask $0x300;
	s17 =	smax.u32 s17, $0x1;
	s28 =	sadd.s32 s2, s10;
	[dreg:$0x4] =	wrdreg s29  }
0xd: {  	v1 =	vsel vm0, $0xA, v1;
	v2 =	vor.u32 $0x1, v0;
	s30 =	sadd.s32 $0x1000, s5;
	s10 =	sadd.s32 s3, s10;
	s31 =	sshrl.u32 s6, $0x3  }
0xe: {  	v3 =	vor.u32 $0x2, v0;
	v4 =	vor.u32 $0x3, v0;
	v5 =	vor.u32 $0x4, v0;
	s11 =	sadd.s32 $0x1800, s5;
	[dreg:$0x3] =	wrdreg s28;
	s0 =	sadd.s32 s3, s31  }
0xf: {  	v6 =	vor.u32 $0x5, v0;
	v7 =	vor.u32 $0x6, v0;
	v8 =	vor.u32 $0x7, v0;
	[dreg:$0x5] =	wrdreg s30;
	s15 =	sadd.s32 $0xD000, s0;
	s16 =	sadd.s32 $0xD800, s0  }
.LBB2_1:
0x10: {  	[tilespmem:s4], [sflag:$0x1] =	stream.linear.gather [hbm4b:s5+s4], $0x4000, $0x38;
	[tilespmem:$0x10000] =	vst v63  }
0x11: {  	s26 =	simm.s32 $0x0  }
0x12: {  	s7 =	sand.u32 $0x6, s26  }
0x13: {  	s28 =	simm.s32 $0x0;
	s29 =	sshll.u32 s7, $0x7  }
0x14: {  	s0 =	rddreg [dreg:$0x3];
	s30 =	simm.s32 $0x0;
	v9 =	vmov s28;
	s28 =	simm.s32 $0x0;
	v10 =	vmov s29  }
0x15: {  	[tilespmem:s18], [sflag:$0x2] =	stream.linear.gather [hbm4b:s0+s4], $0x4000, $0x38;
	v11 =	vshll.u32 v9, $0xA;
	v10 =	vshrl.u32 v10, $0x7;
	[tilespmem:$0x10000] =	vst v63  }
0x16: {  	s8 =	sand.u32 $0x380, s30;
	s9 =	sand.u32 $0x2000, s28;
	v9 =	vshll.u32 v9, $0x7;
	_ =	swait.ge [sflag:s19], $0x4000;
	v11 =	vand.u32 $0x2000, v11;
	v10 =	vshll.u32 v10, v1  }
0x17: {  	s31 =	sshll.u32 s7, $0x4;
	s30 =	sor.u32 s8, s9;
	v9 =	vand.u32 $0x380, v9;
	[sflag:s19] =	ssyncset.done $0x0;
	v12 =	vor.u32 v11, v10  }
0x18: {  	s1 =	sor.u32 s31, s30;
	[sflag:s19] =	ssyncadd.s32 $0xFFFFC000;
	v10 =	vbroadcast v10, $0x0;
	v12 =	vor.u32 v9, v12  }
0x19: {  	v13 =	vld [tilespmem:s1+$0xC00];
	v12 =	vbroadcast v12, $0x0  }
0x1a: {  	v14 =	vld [tilespmem:s1+$0x800];
	v10 =	vor.u32 v11, v10  }
0x1b: {  	s28 =	sor.u32 s28, s8;
	v16 =	vld [tilespmem:s1+$0x0];
	v10 =	vor.u32 v9, v10;
	v12 =	vor.u32 v0, v12  }
0x1c: {  	s29 =	sor.u32 s31, s28;
	v15 =	vld [tilespmem:s1+$0x400];
	v17 =	vor.u32 v2, v10  }
0x1d: {  	s29 =	sor.u32 $0x1C00, s29;
	v18 =	vld [tilespmem:s1+$0x1800];
	v19 =	vor.u32 v3, v10  }
0x1e: {  	v20 =	vld [tilespmem:s29+$0x0];
	v21 =	vor.u32 v4, v10  }
0x1f: {  	v22 =	vld [tilespmem:s1+$0x1000];
	v23 =	vor.u32 v5, v10  }
0x20: {  	v24 =	vld [tilespmem:s1+$0x1400];
	v25 =	vor.u32 v6, v10;
	[tilespmem:v12+s20+$0x0] =	vst.idx.msk $0xffff, v16  }
0x21: {  	v12 =	vor.u32 v7, v10;
	[tilespmem:v17+s20+$0x0] =	vst.idx.msk $0xffff, v15  }
0x22: {  	s0 =	sor.u32 $0x1, s7;
	v10 =	vor.u32 v8, v10;
	[tilespmem:v19+s20+$0x0] =	vst.idx.msk $0xffff, v14  }
0x23: {  	s29 =	sshll.u32 s0, $0x7;
	[tilespmem:v21+s20+$0x0] =	vst.idx.msk $0xffff, v13  }
0x24: {  	v13 =	vmov s29;
	[tilespmem:v23+s20+$0x0] =	vst.idx.msk $0xffff, v22  }
0x25: {  	v13 =	vshrl.u32 v13, $0x7;
	[tilespmem:v25+s20+$0x0] =	vst.idx.msk $0xffff, v24  }
0x26: {  	s31 =	sshll.u32 s0, $0x4;
	[tilespmem:v12+s20+$0x0] =	vst.idx.msk $0xffff, v18;
	v12 =	vshll.u32 v13, v1  }
0x27: {  	s0 =	sor.u32 s31, s30;
	[tilespmem:v10+s20+$0x0] =	vst.idx.msk $0xffff, v20;
	v10 =	vbroadcast v12, $0x0  }
0x28: {  	v14 =	vld [tilespmem:s0+$0x800]  }
0x29: {  	v12 =	vld [tilespmem:s0+$0xC00];
	v10 =	vadd.s32 v11, v10  }
0x2a: {  	v17 =	vld [tilespmem:s0+$0x0];
	v10 =	vor.u32 v9, v10  }
0x2b: {  	v15 =	vld [tilespmem:s0+$0x400];
	v19 =	vor.u32 v0, v10  }
0x2c: {  	s1 =	sor.u32 s31, s28;
	v13 =	vld [tilespmem:s0+$0x1400];
	v18 =	vor.u32 v2, v10  }
0x2d: {  	s28 =	sor.u32 $0x1C00, s1;
	v11 =	vld [tilespmem:s0+$0x1000];
	v9 =	vor.u32 v4, v10;
	v16 =	vor.u32 v3, v10  }
.LBB2_2:
0x2e: {  	s26 =	sadd.s32 $0x2, s26;
	v20 =	vld [tilespmem:s0+$0x1800]  }
0x2f: {  	v22 =	vor.u32 v5, v10;
	s0 =	sshrl.u32 s26, $0x3;
	s1 =	sand.u32 $0x6, s26;
	s29 =	sshll.u32 s26, $0x4;
	v21 =	vld [tilespmem:s28+$0x0]  }
0x30: {  	v23 =	vmov s0;
	s0 =	sshll.u32 s0, $0xA;
	s28 =	sand.u32 $0x380, s29;
	s29 =	sshll.u32 s1, $0x7;
	[tilespmem:v19+s20+$0x0] =	vst.idx.msk $0xffff, v17;
	v17 =	vor.u32 v6, v10  }
0x31: {  	s31 =	sor.u32 $0x1, s1;
	s30 =	sand.u32 $0x2000, s0;
	s0 =	sor.u32 s0, s28;
	v19 =	vmov s29;
	v24 =	vshll.u32 v23, $0xA;
	[tilespmem:v18+s20+$0x0] =	vst.idx.msk $0xffff, v15;
	v15 =	vor.u32 v7, v10  }
0x32: {  	s1 =	sshll.u32 s1, $0x4;
	s7 =	sshll.u32 s31, $0x7;
	v10 =	vor.u32 v8, v10;
	s29 =	sor.u32 s28, s30;
	v18 =	vshrl.u32 v19, $0x7;
	[tilespmem:v16+s20+$0x0] =	vst.idx.msk $0xffff, v14  }
0x33: {  	v14 =	vand.u32 $0x2000, v24;
	s30 =	sshll.u32 s31, $0x4;
	s8 =	sor.u32 s1, s29;
	s1 =	sor.u32 s1, s0;
	v16 =	vshll.u32 v18, v1;
	v18 =	vshll.u32 v23, $0x7;
	[tilespmem:v9+s20+$0x0] =	vst.idx.msk $0xffff, v12  }
0x34: {  	p0 =	slt.u32 s26, $0x7E;
	s0 =	sor.u32 s30, s0;
	v9 =	vand.u32 $0x380, v18;
	v12 =	vor.u32 v14, v16;
	v16 =	vbroadcast v16, $0x0;
	[tilespmem:v22+s20+$0x0] =	vst.idx.msk $0xffff, v11  }
0x35: {  	s28 =	sor.u32 $0x1C00, s0;
	v11 =	vor.u32 v9, v12;
	v12 =	vmov s7;
	[tilespmem:v17+s20+$0x0] =	vst.idx.msk $0xffff, v13  }
0x36: {  	v11 =	vbroadcast v11, $0x0;
	v13 =	vor.u32 v14, v16;
	v12 =	vshrl.u32 v12, $0x7;
	[tilespmem:v15+s20+$0x0] =	vst.idx.msk $0xffff, v20  }
0x37: {  	v12 =	vshll.u32 v12, v1;
	[tilespmem:v10+s20+$0x0] =	vst.idx.msk $0xffff, v21  }
0x38: {  	v13 =	vor.u32 v9, v13;
	v15 =	vld [tilespmem:s8+$0xC00];
	v11 =	vor.u32 v0, v11;
	v10 =	vbroadcast v12, $0x0  }
0x39: {  	v16 =	vor.u32 v2, v13;
	v12 =	vld [tilespmem:s8+$0x800]  }
0x3a: {  	v18 =	vor.u32 v3, v13;
	v17 =	vld [tilespmem:s8+$0x400];
	v10 =	vadd.s32 v14, v10  }
0x3b: {  	v19 =	vor.u32 v4, v13;
	v14 =	vld [tilespmem:s8+$0x0];
	v10 =	vor.u32 v9, v10  }
0x3c: {  	s0 =	sor.u32 $0x1C00, s1;
	v21 =	vor.u32 v5, v13;
	v20 =	vld [tilespmem:s8+$0x1800];
	v9 =	vor.u32 v4, v10  }
0x3d: {  	v23 =	vor.u32 v6, v13;
	v22 =	vld [tilespmem:s0+$0x0]  }
0x3e: {  	v25 =	vor.u32 v7, v13;
	v24 =	vld [tilespmem:s8+$0x1000]  }
0x3f: {  	v13 =	vor.u32 v8, v13;
	v26 =	vld [tilespmem:s8+$0x1400]  }
0x40: {  	[tilespmem:v11+s20+$0x0] =	vst.idx.msk $0xffff, v14  }
0x41: {  	[tilespmem:v16+s20+$0x0] =	vst.idx.msk $0xffff, v17  }
0x42: {  	[tilespmem:v18+s20+$0x0] =	vst.idx.msk $0xffff, v12  }
0x43: {  	[tilespmem:v19+s20+$0x0] =	vst.idx.msk $0xffff, v15  }
0x44: {  	[tilespmem:v21+s20+$0x0] =	vst.idx.msk $0xffff, v24  }
0x45: {  	[tilespmem:v23+s20+$0x0] =	vst.idx.msk $0xffff, v26  }
0x46: {  	[tilespmem:v25+s20+$0x0] =	vst.idx.msk $0xffff, v20  }
0x47: {  	s0 =	sor.u32 s30, s29;
	[tilespmem:v13+s20+$0x0] =	vst.idx.msk $0xffff, v22  }
0x48: {  	v14 =	vld [tilespmem:s0+$0x800]  }
.Ltmp0:
0x49: {  	v12 =	vld [tilespmem:s0+$0xC00];
	(pc) =	sbr.rel @p0 .LBB2_2-.Ltmp0, $4  }
0x4a: {  	v11 =	vld [tilespmem:s0+$0x1000]  }
0x4b: {  	v19 =	vor.u32 v0, v10;
	v17 =	vld [tilespmem:s0+$0x0]  }
0x4c: {  	v18 =	vor.u32 v2, v10;
	v15 =	vld [tilespmem:s0+$0x400]  }
0x4d: {  	v16 =	vor.u32 v3, v10;
	v13 =	vld [tilespmem:s0+$0x1400]  }
0x4e: {  	_ =	sdelay $0x2  }
0x4f: {  	v20 =	vld [tilespmem:s0+$0x1800];
	v22 =	vor.u32 v5, v10  }
0x50: {  	v21 =	vld [tilespmem:s28+$0x0];
	[tilespmem:v19+s20+$0x0] =	vst.idx.msk $0xffff, v17;
	v17 =	vor.u32 v6, v10  }
0x51: {  	[tilespmem:v18+s20+$0x0] =	vst.idx.msk $0xffff, v15;
	v15 =	vor.u32 v7, v10  }
0x52: {  	v10 =	vor.u32 v8, v10;
	[tilespmem:v16+s20+$0x0] =	vst.idx.msk $0xffff, v14  }
0x53: {  	[tilespmem:v9+s20+$0x0] =	vst.idx.msk $0xffff, v12  }
0x54: {  	[tilespmem:v22+s20+$0x0] =	vst.idx.msk $0xffff, v11  }
0x55: {  	s26 =	simm.s32 $0x0;
	[tilespmem:v17+s20+$0x0] =	vst.idx.msk $0xffff, v13  }
0x56: {  	s28 =	rddreg [dreg:$0x4];
	s30 =	simm.s32 $0x0;
	s1 =	sand.u32 $0x6, s26;
	[tilespmem:v15+s20+$0x0] =	vst.idx.msk $0xffff, v20  }
0x57: {  	s7 =	simm.s32 $0x0;
	s8 =	simm.s32 $0x0;
	s31 =	sshll.u32 s1, $0x7;
	[tilespmem:v10+s20+$0x0] =	vst.idx.msk $0xffff, v21  }
0x58: {  	[hbm4b:s28+s4] =	stream.linear.scatter [tilespmem:s20], [sflag:$0x3], $0x4000, $0x38;
	[tilespmem:$0x10000] =	vst v63  }
0x59: {  	s29 =	rddreg [dreg:$0x5];
	s9 =	sand.u32 $0x2000, s8;
	s7 =	sand.u32 $0x380, s7;
	v9 =	vmov s30;
	v10 =	vmov s31  }
0x5a: {  	v11 =	vshll.u32 v9, $0xA;
	v10 =	vshrl.u32 v10, $0x7;
	[tilespmem:s4], [sflag:$0x1] =	stream.linear.gather [hbm4b:s29+s4], $0x4000, $0x38;
	[tilespmem:$0x10000] =	vst v63  }
0x5b: {  	s0 =	sor.u32 s7, s9;
	v9 =	vshll.u32 v9, $0x7;
	v11 =	vand.u32 $0x2000, v11;
	v10 =	vshll.u32 v10, v1;
	_ =	swait.ge [sflag:s21], $0x4000  }
0x5c: {  	s0 =	sor.u32 $0x4000, s0;
	v9 =	vand.u32 $0x380, v9;
	s29 =	sshll.u32 s1, $0x4;
	v12 =	vor.u32 v11, v10;
	[sflag:s21] =	ssyncset.done $0x0  }
0x5d: {  	v10 =	vbroadcast v10, $0x0;
	s30 =	sor.u32 s29, s0;
	v12 =	vor.u32 v9, v12;
	[sflag:s21] =	ssyncadd.s32 $0xFFFFC000  }
0x5e: {  	s7 =	sor.u32 s8, s7;
	v12 =	vbroadcast v12, $0x0;
	v13 =	vld [tilespmem:s30+$0x400]  }
0x5f: {  	s28 =	sor.u32 s29, s7;
	v10 =	vor.u32 v11, v10;
	v14 =	vld [tilespmem:s30+$0x800]  }
0x60: {  	s28 =	sor.u32 $0x1C00, s28;
	v10 =	vor.u32 v9, v10;
	v12 =	vor.u32 v0, v12;
	v16 =	vld [tilespmem:s30+$0x0]  }
0x61: {  	v15 =	vld [tilespmem:s28+$0x4000];
	v17 =	vor.u32 v2, v10  }
0x62: {  	v18 =	vld [tilespmem:s30+$0xC00];
	v19 =	vor.u32 v3, v10  }
0x63: {  	v20 =	vld [tilespmem:s30+$0x1400];
	v21 =	vor.u32 v4, v10  }
0x64: {  	v23 =	vor.u32 v5, v10;
	v24 =	vld [tilespmem:s30+$0x1000]  }
0x65: {  	v22 =	vld [tilespmem:s30+$0x1800];
	v25 =	vor.u32 v6, v10;
	[tilespmem:v12+s22+$0x0] =	vst.idx.msk $0xffff, v16  }
0x66: {  	v12 =	vor.u32 v7, v10;
	[tilespmem:v17+s22+$0x0] =	vst.idx.msk $0xffff, v13  }
0x67: {  	v10 =	vor.u32 v8, v10;
	[tilespmem:v19+s22+$0x0] =	vst.idx.msk $0xffff, v14  }
0x68: {  	s1 =	sor.u32 $0x1, s1;
	[tilespmem:v21+s22+$0x0] =	vst.idx.msk $0xffff, v18  }
0x69: {  	s31 =	sshll.u32 s1, $0x7;
	[tilespmem:v23+s22+$0x0] =	vst.idx.msk $0xffff, v24  }
0x6a: {  	v13 =	vmov s31;
	[tilespmem:v25+s22+$0x0] =	vst.idx.msk $0xffff, v20  }
0x6b: {  	[tilespmem:v12+s22+$0x0] =	vst.idx.msk $0xffff, v22;
	v12 =	vshrl.u32 v13, $0x7  }
0x6c: {  	s1 =	sshll.u32 s1, $0x4;
	[tilespmem:v10+s22+$0x0] =	vst.idx.msk $0xffff, v15;
	v10 =	vshll.u32 v12, v1  }
0x6d: {  	s0 =	sor.u32 s1, s0;
	v13 =	vbroadcast v10, $0x0  }
0x6e: {  	v12 =	vld [tilespmem:s0+$0xC00]  }
0x6f: {  	v10 =	vld [tilespmem:s0+$0x1800];
	v11 =	vadd.s32 v11, v13  }
0x70: {  	v16 =	vld [tilespmem:s0+$0x400];
	v11 =	vor.u32 v9, v11  }
0x71: {  	v21 =	vld [tilespmem:s0+$0x0];
	v22 =	vor.u32 v0, v11  }
0x72: {  	v15 =	vld [tilespmem:s0+$0x800];
	v20 =	vor.u32 v2, v11  }
0x73: {  	s1 =	sor.u32 s1, s7;
	v14 =	vld [tilespmem:s0+$0x1000];
	v19 =	vor.u32 v3, v11  }
0x74: {  	v13 =	vld [tilespmem:s0+$0x1400];
	s0 =	sor.u32 $0x1C00, s1;
	v9 =	vor.u32 v6, v11;
	v18 =	vor.u32 v4, v11;
	v17 =	vor.u32 v5, v11  }
.LBB2_4:
0x75: {  	s26 =	sadd.s32 $0x2, s26;
	v23 =	vld [tilespmem:s0+$0x4000]  }
0x76: {  	s0 =	sshrl.u32 s26, $0x3;
	s1 =	sand.u32 $0x6, s26;
	s7 =	sshll.u32 s26, $0x4;
	[tilespmem:v22+s22+$0x0] =	vst.idx.msk $0xffff, v21;
	v21 =	vor.u32 v7, v11  }
0x77: {  	v11 =	vor.u32 v8, v11;
	v22 =	vmov s0;
	s0 =	sshll.u32 s0, $0xA;
	s8 =	sshll.u32 s1, $0x7;
	s28 =	sor.u32 $0x1, s1;
	[tilespmem:v20+s22+$0x0] =	vst.idx.msk $0xffff, v16  }
0x78: {  	s7 =	sand.u32 $0x380, s7;
	s29 =	sand.u32 $0x2000, s0;
	v16 =	vmov s8;
	v20 =	vshll.u32 v22, $0xA;
	v22 =	vshll.u32 v22, $0x7;
	s8 =	sshll.u32 s28, $0x7;
	[tilespmem:v19+s22+$0x0] =	vst.idx.msk $0xffff, v15  }
0x79: {  	p0 =	slt.u32 s26, $0x7E;
	s30 =	sor.u32 s7, s29;
	s29 =	sor.u32 s0, s7;
	v15 =	vshrl.u32 v16, $0x7;
	v16 =	vmov s8;
	[tilespmem:v18+s22+$0x0] =	vst.idx.msk $0xffff, v12  }
0x7a: {  	s0 =	sshll.u32 s1, $0x4;
	v12 =	vand.u32 $0x2000, v20;
	s30 =	sor.u32 $0x4000, s30;
	v15 =	vshll.u32 v15, v1;
	v16 =	vshrl.u32 v16, $0x7;
	[tilespmem:v17+s22+$0x0] =	vst.idx.msk $0xffff, v14  }
0x7b: {  	v14 =	vand.u32 $0x380, v22;
	s1 =	sor.u32 s0, s30;
	s0 =	sor.u32 s0, s29;
	v17 =	vor.u32 v12, v15;
	v15 =	vbroadcast v15, $0x0;
	[tilespmem:v9+s22+$0x0] =	vst.idx.msk $0xffff, v13  }
0x7c: {  	v13 =	vshll.u32 v16, v1;
	v9 =	vor.u32 v14, v17;
	[tilespmem:v21+s22+$0x0] =	vst.idx.msk $0xffff, v10  }
0x7d: {  	v13 =	vbroadcast v13, $0x0;
	v9 =	vbroadcast v9, $0x0;
	v10 =	vor.u32 v12, v15;
	[tilespmem:v11+s22+$0x0] =	vst.idx.msk $0xffff, v23  }
0x7e: {  	v15 =	vld [tilespmem:s1+$0x400]  }
0x7f: {  	s0 =	sor.u32 $0x1C00, s0;
	v10 =	vor.u32 v14, v10;
	v16 =	vld [tilespmem:s1+$0x800];
	v17 =	vor.u32 v0, v9;
	v9 =	vadd.s32 v12, v13  }
0x80: {  	v13 =	vor.u32 v2, v10;
	v12 =	vld [tilespmem:s0+$0x4000];
	v11 =	vor.u32 v14, v9  }
0x81: {  	v18 =	vor.u32 v3, v10;
	v14 =	vld [tilespmem:s1+$0x0];
	v9 =	vor.u32 v6, v11  }
0x82: {  	v20 =	vor.u32 v4, v10;
	v19 =	vld [tilespmem:s1+$0xC00]  }
0x83: {  	v22 =	vor.u32 v5, v10;
	v21 =	vld [tilespmem:s1+$0x1400]  }
0x84: {  	v24 =	vor.u32 v6, v10;
	v23 =	vld [tilespmem:s1+$0x1800]  }
0x85: {  	v26 =	vor.u32 v7, v10;
	v25 =	vld [tilespmem:s1+$0x1000]  }
0x86: {  	[tilespmem:v17+s22+$0x0] =	vst.idx.msk $0xffff, v14  }
0x87: {  	[tilespmem:v13+s22+$0x0] =	vst.idx.msk $0xffff, v15  }
0x88: {  	v10 =	vor.u32 v8, v10;
	[tilespmem:v18+s22+$0x0] =	vst.idx.msk $0xffff, v16  }
0x89: {  	[tilespmem:v20+s22+$0x0] =	vst.idx.msk $0xffff, v19  }
0x8a: {  	[tilespmem:v22+s22+$0x0] =	vst.idx.msk $0xffff, v25  }
0x8b: {  	[tilespmem:v24+s22+$0x0] =	vst.idx.msk $0xffff, v21  }
0x8c: {  	s0 =	sshll.u32 s28, $0x4;
	[tilespmem:v26+s22+$0x0] =	vst.idx.msk $0xffff, v23  }
0x8d: {  	s1 =	sor.u32 s0, s30;
	s0 =	sor.u32 s0, s29;
	[tilespmem:v10+s22+$0x0] =	vst.idx.msk $0xffff, v12  }
0x8e: {  	v12 =	vld [tilespmem:s1+$0xC00]  }
0x8f: {  	v10 =	vld [tilespmem:s1+$0x1800]  }
.Ltmp1:
0x90: {  	v22 =	vor.u32 v0, v11;
	v16 =	vld [tilespmem:s1+$0x400];
	(pc) =	sbr.rel @p0 .LBB2_4-.Ltmp1, $4  }
0x91: {  	v20 =	vor.u32 v2, v11;
	v21 =	vld [tilespmem:s1+$0x0]  }
0x92: {  	v19 =	vor.u32 v3, v11;
	v15 =	vld [tilespmem:s1+$0x800]  }
0x93: {  	v18 =	vor.u32 v4, v11;
	v13 =	vld [tilespmem:s1+$0x1400]  }
0x94: {  	s0 =	sor.u32 $0x1C00, s0;
	v17 =	vor.u32 v5, v11;
	v14 =	vld [tilespmem:s1+$0x1000]  }
0x95: {  	_ =	sdelay $0x3  }
0x96: {  	v23 =	vld [tilespmem:s0+$0x4000];
	[tilespmem:v22+s22+$0x0] =	vst.idx.msk $0xffff, v21  }
0x97: {  	v63 =	vor.u32 v7, v11;
	[tilespmem:v20+s22+$0x0] =	vst.idx.msk $0xffff, v16  }
0x98: {  	v11 =	vor.u32 v8, v11;
	[tilespmem:v19+s22+$0x0] =	vst.idx.msk $0xffff, v15  }
0x99: {  	[tilespmem:v18+s22+$0x0] =	vst.idx.msk $0xffff, v12  }
0x9a: {  	[tilespmem:v17+s22+$0x0] =	vst.idx.msk $0xffff, v14  }
0x9b: {  	[tilespmem:v9+s22+$0x0] =	vst.idx.msk $0xffff, v13  }
0x9c: {  	[tilespmem:v63+s22+$0x0] =	vst.idx.msk $0xffff, v10  }
0x9d: {  	[tilespmem:v11+s22+$0x0] =	vst.idx.msk $0xffff, v23  }
0x9e: {  	[hbm4b:s10+s4] =	stream.linear.scatter [tilespmem:s22], [sflag:$0x4], $0x4000, $0x38;
	[tilespmem:$0x10000] =	vst v63  }
0x9f: {  	s26 =	simm.s32 $0x1  }
0xa0: {  	[tilespmem:s18], [sflag:$0x2] =	stream.linear.gather [hbm4b:s11+s4], $0x4000, $0x38;
	[tilespmem:$0x10000] =	vst v63  }
.LBB2_6:
0xa1: {  	s28 =	simm.s32 $0x0  }
0xa2: {  	s0 =	sand.u32 $0x6, s28  }
0xa3: {  	_ =	swait.ge [sflag:s19], $0x4000;
	s1 =	simm.s32 $0x0;
	s7 =	sshll.u32 s0, $0x7  }
0xa4: {  	[sflag:s19] =	ssyncset.done $0x0;
	v9 =	vmov s1;
	v10 =	vmov s7  }
0xa5: {  	s8 =	simm.s32 $0x0;
	s1 =	simm.s32 $0x0;
	[sflag:s19] =	ssyncadd.s32 $0xFFFFC000;
	v11 =	vshll.u32 v9, $0xA;
	v10 =	vshrl.u32 v10, $0x7  }
0xa6: {  	s31 =	sand.u32 $0x380, s8;
	s9 =	sand.u32 $0x2000, s1;
	v9 =	vshll.u32 v9, $0x7;
	_ =	swait.ge [sflag:s23], $0x4000;
	v11 =	vand.u32 $0x2000, v11;
	v10 =	vshll.u32 v10, v1  }
0xa7: {  	s29 =	sshll.u32 s0, $0x4;
	s8 =	sor.u32 s31, s9;
	v9 =	vand.u32 $0x380, v9;
	[sflag:s23] =	ssyncset.done $0x0;
	v12 =	vor.u32 v11, v10  }
0xa8: {  	s30 =	sor.u32 s29, s8;
	[sflag:s23] =	ssyncadd.s32 $0xFFFFC000;
	v10 =	vbroadcast v10, $0x0;
	v12 =	vor.u32 v9, v12  }
0xa9: {  	v13 =	vld [tilespmem:s30+$0xC00];
	v12 =	vbroadcast v12, $0x0  }
0xaa: {  	v14 =	vld [tilespmem:s30+$0x800];
	v10 =	vor.u32 v11, v10  }
0xab: {  	s1 =	sor.u32 s1, s31;
	v16 =	vld [tilespmem:s30+$0x0];
	v10 =	vor.u32 v9, v10;
	v12 =	vor.u32 v0, v12  }
0xac: {  	s7 =	sor.u32 s29, s1;
	v15 =	vld [tilespmem:s30+$0x400];
	v17 =	vor.u32 v2, v10  }
0xad: {  	s7 =	sor.u32 $0x1C00, s7;
	v18 =	vld [tilespmem:s30+$0x1800];
	v19 =	vor.u32 v3, v10  }
0xae: {  	v20 =	vld [tilespmem:s7+$0x0];
	v21 =	vor.u32 v4, v10  }
0xaf: {  	v22 =	vld [tilespmem:s30+$0x1000];
	v23 =	vor.u32 v5, v10  }
0xb0: {  	v24 =	vld [tilespmem:s30+$0x1400];
	v25 =	vor.u32 v6, v10;
	[tilespmem:v12+s20+$0x0] =	vst.idx.msk $0xffff, v16  }
0xb1: {  	v12 =	vor.u32 v7, v10;
	[tilespmem:v17+s20+$0x0] =	vst.idx.msk $0xffff, v15  }
0xb2: {  	s0 =	sor.u32 $0x1, s0;
	v10 =	vor.u32 v8, v10;
	[tilespmem:v19+s20+$0x0] =	vst.idx.msk $0xffff, v14  }
0xb3: {  	s30 =	sshll.u32 s0, $0x7;
	[tilespmem:v21+s20+$0x0] =	vst.idx.msk $0xffff, v13  }
0xb4: {  	v13 =	vmov s30;
	[tilespmem:v23+s20+$0x0] =	vst.idx.msk $0xffff, v22  }
0xb5: {  	v13 =	vshrl.u32 v13, $0x7;
	[tilespmem:v25+s20+$0x0] =	vst.idx.msk $0xffff, v24  }
0xb6: {  	s31 =	sshll.u32 s0, $0x4;
	[tilespmem:v12+s20+$0x0] =	vst.idx.msk $0xffff, v18;
	v12 =	vshll.u32 v13, v1  }
0xb7: {  	s0 =	sor.u32 s31, s8;
	[tilespmem:v10+s20+$0x0] =	vst.idx.msk $0xffff, v20;
	v10 =	vbroadcast v12, $0x0  }
0xb8: {  	v14 =	vld [tilespmem:s0+$0x800]  }
0xb9: {  	v12 =	vld [tilespmem:s0+$0xC00];
	v10 =	vadd.s32 v11, v10  }
0xba: {  	v17 =	vld [tilespmem:s0+$0x0];
	v10 =	vor.u32 v9, v10  }
0xbb: {  	v15 =	vld [tilespmem:s0+$0x400];
	v19 =	vor.u32 v0, v10  }
0xbc: {  	s1 =	sor.u32 s31, s1;
	v13 =	vld [tilespmem:s0+$0x1400];
	v18 =	vor.u32 v2, v10  }
0xbd: {  	s29 =	sor.u32 $0x1C00, s1;
	v11 =	vld [tilespmem:s0+$0x1000];
	v9 =	vor.u32 v4, v10;
	v16 =	vor.u32 v3, v10  }
.LBB2_7:
0xbe: {  	s28 =	sadd.s32 $0x2, s28;
	v20 =	vld [tilespmem:s0+$0x1800]  }
0xbf: {  	v22 =	vor.u32 v5, v10;
	s0 =	sshrl.u32 s28, $0x3;
	s1 =	sand.u32 $0x6, s28;
	s7 =	sshll.u32 s28, $0x4;
	v21 =	vld [tilespmem:s29+$0x0]  }
0xc0: {  	v23 =	vmov s0;
	s0 =	sshll.u32 s0, $0xA;
	s7 =	sand.u32 $0x380, s7;
	s8 =	sshll.u32 s1, $0x7;
	[tilespmem:v19+s20+$0x0] =	vst.idx.msk $0xffff, v17;
	v17 =	vor.u32 v6, v10  }
0xc1: {  	s29 =	sand.u32 $0x2000, s0;
	s0 =	sor.u32 s0, s7;
	v19 =	vmov s8;
	v24 =	vshll.u32 v23, $0xA;
	s8 =	sor.u32 $0x1, s1;
	[tilespmem:v18+s20+$0x0] =	vst.idx.msk $0xffff, v15;
	v15 =	vor.u32 v7, v10  }
0xc2: {  	s1 =	sshll.u32 s1, $0x4;
	v10 =	vor.u32 v8, v10;
	s30 =	sor.u32 s7, s29;
	v18 =	vshrl.u32 v19, $0x7;
	s7 =	sshll.u32 s8, $0x7;
	[tilespmem:v16+s20+$0x0] =	vst.idx.msk $0xffff, v14  }
0xc3: {  	v14 =	vand.u32 $0x2000, v24;
	s31 =	sshll.u32 s8, $0x4;
	s9 =	sor.u32 s1, s30;
	s1 =	sor.u32 s1, s0;
	v16 =	vshll.u32 v18, v1;
	v18 =	vshll.u32 v23, $0x7;
	[tilespmem:v9+s20+$0x0] =	vst.idx.msk $0xffff, v12  }
0xc4: {  	p0 =	slt.u32 s28, $0x7E;
	s0 =	sor.u32 s31, s0;
	v9 =	vand.u32 $0x380, v18;
	v12 =	vor.u32 v14, v16;
	v16 =	vbroadcast v16, $0x0;
	[tilespmem:v22+s20+$0x0] =	vst.idx.msk $0xffff, v11  }
0xc5: {  	s29 =	sor.u32 $0x1C00, s0;
	v11 =	vor.u32 v9, v12;
	v12 =	vmov s7;
	[tilespmem:v17+s20+$0x0] =	vst.idx.msk $0xffff, v13  }
0xc6: {  	v11 =	vbroadcast v11, $0x0;
	v13 =	vor.u32 v14, v16;
	v12 =	vshrl.u32 v12, $0x7;
	[tilespmem:v15+s20+$0x0] =	vst.idx.msk $0xffff, v20  }
0xc7: {  	v12 =	vshll.u32 v12, v1;
	[tilespmem:v10+s20+$0x0] =	vst.idx.msk $0xffff, v21  }
0xc8: {  	v13 =	vor.u32 v9, v13;
	v15 =	vld [tilespmem:s9+$0xC00];
	v11 =	vor.u32 v0, v11;
	v10 =	vbroadcast v12, $0x0  }
0xc9: {  	v16 =	vor.u32 v2, v13;
	v12 =	vld [tilespmem:s9+$0x800]  }
0xca: {  	v18 =	vor.u32 v3, v13;
	v17 =	vld [tilespmem:s9+$0x400];
	v10 =	vadd.s32 v14, v10  }
0xcb: {  	v19 =	vor.u32 v4, v13;
	v14 =	vld [tilespmem:s9+$0x0];
	v10 =	vor.u32 v9, v10  }
0xcc: {  	s0 =	sor.u32 $0x1C00, s1;
	v21 =	vor.u32 v5, v13;
	v20 =	vld [tilespmem:s9+$0x1800];
	v9 =	vor.u32 v4, v10  }
0xcd: {  	v23 =	vor.u32 v6, v13;
	v22 =	vld [tilespmem:s0+$0x0]  }
0xce: {  	v25 =	vor.u32 v7, v13;
	v24 =	vld [tilespmem:s9+$0x1000]  }
0xcf: {  	v13 =	vor.u32 v8, v13;
	v26 =	vld [tilespmem:s9+$0x1400]  }
0xd0: {  	[tilespmem:v11+s20+$0x0] =	vst.idx.msk $0xffff, v14  }
0xd1: {  	[tilespmem:v16+s20+$0x0] =	vst.idx.msk $0xffff, v17  }
0xd2: {  	[tilespmem:v18+s20+$0x0] =	vst.idx.msk $0xffff, v12  }
0xd3: {  	[tilespmem:v19+s20+$0x0] =	vst.idx.msk $0xffff, v15  }
0xd4: {  	[tilespmem:v21+s20+$0x0] =	vst.idx.msk $0xffff, v24  }
0xd5: {  	[tilespmem:v23+s20+$0x0] =	vst.idx.msk $0xffff, v26  }
0xd6: {  	[tilespmem:v25+s20+$0x0] =	vst.idx.msk $0xffff, v20  }
0xd7: {  	s0 =	sor.u32 s31, s30;
	[tilespmem:v13+s20+$0x0] =	vst.idx.msk $0xffff, v22  }
0xd8: {  	v14 =	vld [tilespmem:s0+$0x800]  }
.Ltmp2:
0xd9: {  	v12 =	vld [tilespmem:s0+$0xC00];
	(pc) =	sbr.rel @p0 .LBB2_7-.Ltmp2, $4  }
0xda: {  	v11 =	vld [tilespmem:s0+$0x1000]  }
0xdb: {  	v19 =	vor.u32 v0, v10;
	v17 =	vld [tilespmem:s0+$0x0]  }
0xdc: {  	v18 =	vor.u32 v2, v10;
	v15 =	vld [tilespmem:s0+$0x400]  }
0xdd: {  	v16 =	vor.u32 v3, v10;
	v13 =	vld [tilespmem:s0+$0x1400]  }
0xde: {  	_ =	sdelay $0x2  }
0xdf: {  	v20 =	vld [tilespmem:s0+$0x1800];
	v22 =	vor.u32 v5, v10  }
0xe0: {  	v21 =	vld [tilespmem:s29+$0x0];
	[tilespmem:v19+s20+$0x0] =	vst.idx.msk $0xffff, v17;
	v17 =	vor.u32 v6, v10  }
0xe1: {  	[tilespmem:v18+s20+$0x0] =	vst.idx.msk $0xffff, v15;
	v15 =	vor.u32 v7, v10  }
0xe2: {  	v10 =	vor.u32 v8, v10;
	[tilespmem:v16+s20+$0x0] =	vst.idx.msk $0xffff, v14  }
0xe3: {  	[tilespmem:v9+s20+$0x0] =	vst.idx.msk $0xffff, v12  }
0xe4: {  	s9 =	sshll.u32 s26, $0xF;
	[tilespmem:v22+s20+$0x0] =	vst.idx.msk $0xffff, v11  }
0xe5: {  	s0 =	sadd.s32 s6, s9;
	[tilespmem:v17+s20+$0x0] =	vst.idx.msk $0xffff, v13  }
0xe6: {  	s28 =	sshll.u32 s26, $0x5;
	s0 =	sshrl.u32 s0, $0x3;
	[tilespmem:v15+s20+$0x0] =	vst.idx.msk $0xffff, v20  }
0xe7: {  	s30 =	sadd.s32 s28, s12;
	s0 =	sadd.s32 s3, s0;
	[tilespmem:v10+s20+$0x0] =	vst.idx.msk $0xffff, v21  }
0xe8: {  	[hbm4b:s0+s4] =	stream.linear.scatter [tilespmem:s20], [sflag:$0x3], $0x4000, $0x38;
	[tilespmem:$0x10000] =	vst v63  }
0xe9: {  	s29 =	simm.s32 $0x0;
	s0 =	sshll.u32 s30, $0x7  }
0xea: {  	s1 =	sand.u32 $0x6, s29;
	s0 =	sadd.s32 s2, s0  }
0xeb: {  	[tilespmem:s4], [sflag:$0x1] =	stream.linear.gather [hbm4b:s0+s4], $0x4000, $0x38;
	[tilespmem:$0x10000] =	vst v63  }
0xec: {  	s31 =	simm.s32 $0x0;
	s9 =	sshll.u32 s1, $0x7;
	_ =	swait.ge [sflag:s21], $0x4000  }
0xed: {  	s7 =	simm.s32 $0x0;
	s8 =	simm.s32 $0x0;
	v9 =	vmov s31;
	v10 =	vmov s9;
	[sflag:s21] =	ssyncset.done $0x0  }
0xee: {  	s7 =	sand.u32 $0x380, s7;
	v11 =	vshll.u32 v9, $0xA;
	s30 =	sand.u32 $0x2000, s8;
	v10 =	vshrl.u32 v10, $0x7;
	[sflag:s21] =	ssyncadd.s32 $0xFFFFC000  }
0xef: {  	v9 =	vshll.u32 v9, $0x7;
	v11 =	vand.u32 $0x2000, v11;
	v10 =	vshll.u32 v10, v1;
	s0 =	sor.u32 s7, s30;
	_ =	swait.ge [sflag:s24], $0x4000  }
0xf0: {  	s31 =	sshll.u32 s1, $0x4;
	v9 =	vand.u32 $0x380, v9;
	v12 =	vor.u32 v11, v10;
	s0 =	sor.u32 $0x4000, s0;
	[sflag:s24] =	ssyncset.done $0x0  }
0xf1: {  	v10 =	vbroadcast v10, $0x0;
	v12 =	vor.u32 v9, v12;
	s30 =	sor.u32 s31, s0;
	[sflag:s24] =	ssyncadd.s32 $0xFFFFC000  }
0xf2: {  	s7 =	sor.u32 s8, s7;
	v12 =	vbroadcast v12, $0x0;
	v13 =	vld [tilespmem:s30+$0x400]  }
0xf3: {  	s9 =	sor.u32 s31, s7;
	v10 =	vor.u32 v11, v10;
	v14 =	vld [tilespmem:s30+$0x800]  }
0xf4: {  	s9 =	sor.u32 $0x1C00, s9;
	v10 =	vor.u32 v9, v10;
	v12 =	vor.u32 v0, v12;
	v16 =	vld [tilespmem:s30+$0x0]  }
0xf5: {  	v17 =	vor.u32 v2, v10;
	v15 =	vld [tilespmem:s9+$0x4000]  }
0xf6: {  	v19 =	vor.u32 v3, v10;
	v18 =	vld [tilespmem:s30+$0xC00]  }
0xf7: {  	v21 =	vor.u32 v4, v10;
	v20 =	vld [tilespmem:s30+$0x1400]  }
0xf8: {  	v23 =	vor.u32 v5, v10;
	v24 =	vld [tilespmem:s30+$0x1000]  }
0xf9: {  	v25 =	vor.u32 v6, v10;
	v22 =	vld [tilespmem:s30+$0x1800];
	[tilespmem:v12+s22+$0x0] =	vst.idx.msk $0xffff, v16  }
0xfa: {  	v12 =	vor.u32 v7, v10;
	[tilespmem:v17+s22+$0x0] =	vst.idx.msk $0xffff, v13  }
0xfb: {  	v10 =	vor.u32 v8, v10;
	[tilespmem:v19+s22+$0x0] =	vst.idx.msk $0xffff, v14  }
0xfc: {  	s1 =	sor.u32 $0x1, s1;
	[tilespmem:v21+s22+$0x0] =	vst.idx.msk $0xffff, v18  }
0xfd: {  	s31 =	sshll.u32 s1, $0x7;
	[tilespmem:v23+s22+$0x0] =	vst.idx.msk $0xffff, v24  }
0xfe: {  	v13 =	vmov s31;
	[tilespmem:v25+s22+$0x0] =	vst.idx.msk $0xffff, v20  }
0xff: {  	[tilespmem:v12+s22+$0x0] =	vst.idx.msk $0xffff, v22;
	v12 =	vshrl.u32 v13, $0x7  }
0x100: {  	s1 =	sshll.u32 s1, $0x4;
	[tilespmem:v10+s22+$0x0] =	vst.idx.msk $0xffff, v15;
	v10 =	vshll.u32 v12, v1  }
0x101: {  	s0 =	sor.u32 s1, s0;
	v13 =	vbroadcast v10, $0x0  }
0x102: {  	v12 =	vld [tilespmem:s0+$0xC00]  }
0x103: {  	v10 =	vld [tilespmem:s0+$0x1800];
	v11 =	vadd.s32 v11, v13  }
0x104: {  	v16 =	vld [tilespmem:s0+$0x400];
	v11 =	vor.u32 v9, v11  }
0x105: {  	v21 =	vld [tilespmem:s0+$0x0];
	v22 =	vor.u32 v0, v11  }
0x106: {  	v15 =	vld [tilespmem:s0+$0x800];
	v20 =	vor.u32 v2, v11  }
0x107: {  	s1 =	sor.u32 s1, s7;
	v14 =	vld [tilespmem:s0+$0x1000];
	v19 =	vor.u32 v3, v11  }
0x108: {  	v13 =	vld [tilespmem:s0+$0x1400];
	s0 =	sor.u32 $0x1C00, s1;
	v9 =	vor.u32 v6, v11;
	v18 =	vor.u32 v4, v11;
	v17 =	vor.u32 v5, v11  }
.LBB2_9:
0x109: {  	s29 =	sadd.s32 $0x2, s29;
	v23 =	vld [tilespmem:s0+$0x4000]  }
0x10a: {  	s0 =	sshrl.u32 s29, $0x3;
	s1 =	sand.u32 $0x6, s29;
	s7 =	sshll.u32 s29, $0x4;
	[tilespmem:v22+s22+$0x0] =	vst.idx.msk $0xffff, v21;
	v21 =	vor.u32 v7, v11  }
0x10b: {  	v11 =	vor.u32 v8, v11;
	v22 =	vmov s0;
	s0 =	sshll.u32 s0, $0xA;
	s8 =	sshll.u32 s1, $0x7;
	s30 =	sor.u32 $0x1, s1;
	[tilespmem:v20+s22+$0x0] =	vst.idx.msk $0xffff, v16  }
0x10c: {  	s7 =	sand.u32 $0x380, s7;
	s9 =	sand.u32 $0x2000, s0;
	v16 =	vmov s8;
	v20 =	vshll.u32 v22, $0xA;
	v22 =	vshll.u32 v22, $0x7;
	s8 =	sshll.u32 s30, $0x7;
	[tilespmem:v19+s22+$0x0] =	vst.idx.msk $0xffff, v15  }
0x10d: {  	p0 =	slt.u32 s29, $0x7E;
	s31 =	sor.u32 s0, s7;
	s9 =	sor.u32 s7, s9;
	v15 =	vshrl.u32 v16, $0x7;
	v16 =	vmov s8;
	[tilespmem:v18+s22+$0x0] =	vst.idx.msk $0xffff, v12  }
0x10e: {  	s1 =	sshll.u32 s1, $0x4;
	v12 =	vand.u32 $0x2000, v20;
	s0 =	sor.u32 $0x4000, s9;
	v15 =	vshll.u32 v15, v1;
	v16 =	vshrl.u32 v16, $0x7;
	[tilespmem:v17+s22+$0x0] =	vst.idx.msk $0xffff, v14  }
0x10f: {  	v14 =	vand.u32 $0x380, v22;
	s7 =	sor.u32 s1, s0;
	s1 =	sor.u32 s1, s31;
	v17 =	vor.u32 v12, v15;
	v15 =	vbroadcast v15, $0x0;
	[tilespmem:v9+s22+$0x0] =	vst.idx.msk $0xffff, v13  }
0x110: {  	v13 =	vshll.u32 v16, v1;
	v9 =	vor.u32 v14, v17;
	[tilespmem:v21+s22+$0x0] =	vst.idx.msk $0xffff, v10  }
0x111: {  	v13 =	vbroadcast v13, $0x0;
	v9 =	vbroadcast v9, $0x0;
	v10 =	vor.u32 v12, v15;
	[tilespmem:v11+s22+$0x0] =	vst.idx.msk $0xffff, v23  }
0x112: {  	v15 =	vld [tilespmem:s7+$0x400]  }
0x113: {  	s1 =	sor.u32 $0x1C00, s1;
	v10 =	vor.u32 v14, v10;
	v16 =	vld [tilespmem:s7+$0x800];
	v17 =	vor.u32 v0, v9;
	v9 =	vadd.s32 v12, v13  }
0x114: {  	v13 =	vor.u32 v2, v10;
	v12 =	vld [tilespmem:s1+$0x4000];
	v11 =	vor.u32 v14, v9  }
0x115: {  	v18 =	vor.u32 v3, v10;
	v14 =	vld [tilespmem:s7+$0x0];
	v9 =	vor.u32 v6, v11  }
0x116: {  	v20 =	vor.u32 v4, v10;
	v19 =	vld [tilespmem:s7+$0xC00]  }
0x117: {  	v22 =	vor.u32 v5, v10;
	v21 =	vld [tilespmem:s7+$0x1400]  }
0x118: {  	v24 =	vor.u32 v6, v10;
	v23 =	vld [tilespmem:s7+$0x1800]  }
0x119: {  	v26 =	vor.u32 v7, v10;
	v25 =	vld [tilespmem:s7+$0x1000]  }
0x11a: {  	[tilespmem:v17+s22+$0x0] =	vst.idx.msk $0xffff, v14  }
0x11b: {  	[tilespmem:v13+s22+$0x0] =	vst.idx.msk $0xffff, v15  }
0x11c: {  	v10 =	vor.u32 v8, v10;
	[tilespmem:v18+s22+$0x0] =	vst.idx.msk $0xffff, v16  }
0x11d: {  	[tilespmem:v20+s22+$0x0] =	vst.idx.msk $0xffff, v19  }
0x11e: {  	[tilespmem:v22+s22+$0x0] =	vst.idx.msk $0xffff, v25  }
0x11f: {  	[tilespmem:v24+s22+$0x0] =	vst.idx.msk $0xffff, v21  }
0x120: {  	s1 =	sshll.u32 s30, $0x4;
	[tilespmem:v26+s22+$0x0] =	vst.idx.msk $0xffff, v23  }
0x121: {  	s0 =	sor.u32 s1, s0;
	s1 =	sor.u32 s1, s31;
	[tilespmem:v10+s22+$0x0] =	vst.idx.msk $0xffff, v12  }
0x122: {  	v12 =	vld [tilespmem:s0+$0xC00]  }
0x123: {  	v10 =	vld [tilespmem:s0+$0x1800]  }
.Ltmp3:
0x124: {  	v22 =	vor.u32 v0, v11;
	v16 =	vld [tilespmem:s0+$0x400];
	(pc) =	sbr.rel @p0 .LBB2_9-.Ltmp3, $4  }
0x125: {  	v20 =	vor.u32 v2, v11;
	v21 =	vld [tilespmem:s0+$0x0]  }
0x126: {  	v19 =	vor.u32 v3, v11;
	v15 =	vld [tilespmem:s0+$0x800]  }
0x127: {  	v18 =	vor.u32 v4, v11;
	v13 =	vld [tilespmem:s0+$0x1400]  }
0x128: {  	v17 =	vor.u32 v5, v11;
	v14 =	vld [tilespmem:s0+$0x1000];
	s0 =	sor.u32 $0x1C00, s1  }
0x129: {  	_ =	sdelay $0x3  }
0x12a: {  	v23 =	vld [tilespmem:s0+$0x4000];
	[tilespmem:v22+s22+$0x0] =	vst.idx.msk $0xffff, v21  }
0x12b: {  	v63 =	vor.u32 v7, v11;
	[tilespmem:v20+s22+$0x0] =	vst.idx.msk $0xffff, v16  }
0x12c: {  	v11 =	vor.u32 v8, v11;
	[tilespmem:v19+s22+$0x0] =	vst.idx.msk $0xffff, v15  }
0x12d: {  	[tilespmem:v18+s22+$0x0] =	vst.idx.msk $0xffff, v12  }
0x12e: {  	[tilespmem:v17+s22+$0x0] =	vst.idx.msk $0xffff, v14  }
0x12f: {  	s30 =	sadd.s32 s28, s13;
	s26 =	sadd.s32 $0x1, s26;
	[tilespmem:v9+s22+$0x0] =	vst.idx.msk $0xffff, v13  }
0x130: {  	s0 =	sshll.u32 s30, $0x7;
	p0 =	sne.s32 s26, $0xD;
	[tilespmem:v63+s22+$0x0] =	vst.idx.msk $0xffff, v10  }
.Ltmp4:
0x131: {  	s31 =	sadd.s32 s28, s14;
	s0 =	sadd.s32 s3, s0;
	[tilespmem:v11+s22+$0x0] =	vst.idx.msk $0xffff, v23;
	(pc) =	sbr.rel @p0 .LBB2_6-.Ltmp4, $4  }
0x132: {  	[hbm4b:s0+s4] =	stream.linear.scatter [tilespmem:s22], [sflag:$0x4], $0x4000, $0x38;
	[tilespmem:$0x10000] =	vst v63  }
0x133: {  	s0 =	sshll.u32 s31, $0x7  }
0x134: {  	s0 =	sadd.s32 s2, s0  }
0x135: {  	[tilespmem:s18], [sflag:$0x2] =	stream.linear.gather [hbm4b:s0+s4], $0x4000, $0x38;
	[tilespmem:$0x10000] =	vst v63  }
0x136: {  	s26 =	simm.s32 $0x0  }
0x137: {  	s0 =	sand.u32 $0x6, s26  }
0x138: {  	_ =	swait.ge [sflag:s19], $0x4000;
	s1 =	simm.s32 $0x0;
	s7 =	sshll.u32 s0, $0x7  }
0x139: {  	[sflag:s19] =	ssyncset.done $0x0;
	v9 =	vmov s1;
	v10 =	vmov s7  }
0x13a: {  	s8 =	simm.s32 $0x0;
	s30 =	simm.s32 $0x0;
	[sflag:s19] =	ssyncadd.s32 $0xFFFFC000;
	v11 =	vshll.u32 v9, $0xA;
	v10 =	vshrl.u32 v10, $0x7  }
0x13b: {  	s31 =	sand.u32 $0x380, s8;
	s29 =	sand.u32 $0x2000, s30;
	v9 =	vshll.u32 v9, $0x7;
	_ =	swait.ge [sflag:s23], $0x4000;
	v11 =	vand.u32 $0x2000, v11;
	v10 =	vshll.u32 v10, v1  }
0x13c: {  	s9 =	sshll.u32 s0, $0x4;
	s8 =	sor.u32 s31, s29;
	v9 =	vand.u32 $0x380, v9;
	[sflag:s23] =	ssyncset.done $0x0;
	v12 =	vor.u32 v11, v10  }
0x13d: {  	s28 =	sor.u32 s9, s8;
	[sflag:s23] =	ssyncadd.s32 $0xFFFFC000;
	v10 =	vbroadcast v10, $0x0;
	v12 =	vor.u32 v9, v12  }
0x13e: {  	v13 =	vld [tilespmem:s28+$0xC00];
	v12 =	vbroadcast v12, $0x0  }
0x13f: {  	v14 =	vld [tilespmem:s28+$0x800];
	v10 =	vor.u32 v11, v10  }
0x140: {  	s1 =	sor.u32 s30, s31;
	v16 =	vld [tilespmem:s28+$0x0];
	v10 =	vor.u32 v9, v10;
	v12 =	vor.u32 v0, v12  }
0x141: {  	s7 =	sor.u32 s9, s1;
	v15 =	vld [tilespmem:s28+$0x400];
	v17 =	vor.u32 v2, v10  }
0x142: {  	s7 =	sor.u32 $0x1C00, s7;
	v18 =	vld [tilespmem:s28+$0x1800];
	v19 =	vor.u32 v3, v10  }
0x143: {  	v20 =	vld [tilespmem:s7+$0x0];
	v21 =	vor.u32 v4, v10  }
0x144: {  	v22 =	vld [tilespmem:s28+$0x1000];
	v23 =	vor.u32 v5, v10  }
0x145: {  	v24 =	vld [tilespmem:s28+$0x1400];
	v25 =	vor.u32 v6, v10;
	[tilespmem:v12+s20+$0x0] =	vst.idx.msk $0xffff, v16  }
0x146: {  	v12 =	vor.u32 v7, v10;
	[tilespmem:v17+s20+$0x0] =	vst.idx.msk $0xffff, v15  }
0x147: {  	s0 =	sor.u32 $0x1, s0;
	v10 =	vor.u32 v8, v10;
	[tilespmem:v19+s20+$0x0] =	vst.idx.msk $0xffff, v14  }
0x148: {  	s30 =	sshll.u32 s0, $0x7;
	[tilespmem:v21+s20+$0x0] =	vst.idx.msk $0xffff, v13  }
0x149: {  	v13 =	vmov s30;
	[tilespmem:v23+s20+$0x0] =	vst.idx.msk $0xffff, v22  }
0x14a: {  	v13 =	vshrl.u32 v13, $0x7;
	[tilespmem:v25+s20+$0x0] =	vst.idx.msk $0xffff, v24  }
0x14b: {  	s31 =	sshll.u32 s0, $0x4;
	[tilespmem:v12+s20+$0x0] =	vst.idx.msk $0xffff, v18;
	v12 =	vshll.u32 v13, v1  }
0x14c: {  	s0 =	sor.u32 s31, s8;
	[tilespmem:v10+s20+$0x0] =	vst.idx.msk $0xffff, v20;
	v10 =	vbroadcast v12, $0x0  }
0x14d: {  	v14 =	vld [tilespmem:s0+$0x800]  }
0x14e: {  	v12 =	vld [tilespmem:s0+$0xC00];
	v10 =	vadd.s32 v11, v10  }
0x14f: {  	v17 =	vld [tilespmem:s0+$0x0];
	v10 =	vor.u32 v9, v10  }
0x150: {  	v15 =	vld [tilespmem:s0+$0x400];
	v19 =	vor.u32 v0, v10  }
0x151: {  	s1 =	sor.u32 s31, s1;
	v13 =	vld [tilespmem:s0+$0x1400];
	v18 =	vor.u32 v2, v10  }
0x152: {  	s28 =	sor.u32 $0x1C00, s1;
	v11 =	vld [tilespmem:s0+$0x1000];
	v9 =	vor.u32 v4, v10;
	v16 =	vor.u32 v3, v10  }
.LBB2_12:
0x153: {  	s26 =	sadd.s32 $0x2, s26;
	v20 =	vld [tilespmem:s0+$0x1800]  }
0x154: {  	v22 =	vor.u32 v5, v10;
	s0 =	sshrl.u32 s26, $0x3;
	s1 =	sand.u32 $0x6, s26;
	s7 =	sshll.u32 s26, $0x4;
	v21 =	vld [tilespmem:s28+$0x0]  }
0x155: {  	v23 =	vmov s0;
	s0 =	sshll.u32 s0, $0xA;
	s7 =	sand.u32 $0x380, s7;
	s8 =	sshll.u32 s1, $0x7;
	[tilespmem:v19+s20+$0x0] =	vst.idx.msk $0xffff, v17;
	v17 =	vor.u32 v6, v10  }
0x156: {  	s9 =	sand.u32 $0x2000, s0;
	s0 =	sor.u32 s0, s7;
	v19 =	vmov s8;
	v24 =	vshll.u32 v23, $0xA;
	s8 =	sor.u32 $0x1, s1;
	[tilespmem:v18+s20+$0x0] =	vst.idx.msk $0xffff, v15;
	v15 =	vor.u32 v7, v10  }
0x157: {  	s1 =	sshll.u32 s1, $0x4;
	v10 =	vor.u32 v8, v10;
	s29 =	sor.u32 s7, s9;
	v18 =	vshrl.u32 v19, $0x7;
	s7 =	sshll.u32 s8, $0x7;
	[tilespmem:v16+s20+$0x0] =	vst.idx.msk $0xffff, v14  }
0x158: {  	v14 =	vand.u32 $0x2000, v24;
	s30 =	sshll.u32 s8, $0x4;
	s9 =	sor.u32 s1, s29;
	s1 =	sor.u32 s1, s0;
	v16 =	vshll.u32 v18, v1;
	v18 =	vshll.u32 v23, $0x7;
	[tilespmem:v9+s20+$0x0] =	vst.idx.msk $0xffff, v12  }
0x159: {  	p0 =	slt.u32 s26, $0x7E;
	s0 =	sor.u32 s30, s0;
	v9 =	vand.u32 $0x380, v18;
	v12 =	vor.u32 v14, v16;
	v16 =	vbroadcast v16, $0x0;
	[tilespmem:v22+s20+$0x0] =	vst.idx.msk $0xffff, v11  }
0x15a: {  	s28 =	sor.u32 $0x1C00, s0;
	v11 =	vor.u32 v9, v12;
	v12 =	vmov s7;
	[tilespmem:v17+s20+$0x0] =	vst.idx.msk $0xffff, v13  }
0x15b: {  	v11 =	vbroadcast v11, $0x0;
	v13 =	vor.u32 v14, v16;
	v12 =	vshrl.u32 v12, $0x7;
	[tilespmem:v15+s20+$0x0] =	vst.idx.msk $0xffff, v20  }
0x15c: {  	v12 =	vshll.u32 v12, v1;
	[tilespmem:v10+s20+$0x0] =	vst.idx.msk $0xffff, v21  }
0x15d: {  	v13 =	vor.u32 v9, v13;
	v15 =	vld [tilespmem:s9+$0xC00];
	v11 =	vor.u32 v0, v11;
	v10 =	vbroadcast v12, $0x0  }
0x15e: {  	v16 =	vor.u32 v2, v13;
	v12 =	vld [tilespmem:s9+$0x800]  }
0x15f: {  	v18 =	vor.u32 v3, v13;
	v17 =	vld [tilespmem:s9+$0x400];
	v10 =	vadd.s32 v14, v10  }
0x160: {  	v19 =	vor.u32 v4, v13;
	v14 =	vld [tilespmem:s9+$0x0];
	v10 =	vor.u32 v9, v10  }
0x161: {  	s0 =	sor.u32 $0x1C00, s1;
	v21 =	vor.u32 v5, v13;
	v20 =	vld [tilespmem:s9+$0x1800];
	v9 =	vor.u32 v4, v10  }
0x162: {  	v23 =	vor.u32 v6, v13;
	v22 =	vld [tilespmem:s0+$0x0]  }
0x163: {  	v25 =	vor.u32 v7, v13;
	v24 =	vld [tilespmem:s9+$0x1000]  }
0x164: {  	v13 =	vor.u32 v8, v13;
	v26 =	vld [tilespmem:s9+$0x1400]  }
0x165: {  	[tilespmem:v11+s20+$0x0] =	vst.idx.msk $0xffff, v14  }
0x166: {  	[tilespmem:v16+s20+$0x0] =	vst.idx.msk $0xffff, v17  }
0x167: {  	[tilespmem:v18+s20+$0x0] =	vst.idx.msk $0xffff, v12  }
0x168: {  	[tilespmem:v19+s20+$0x0] =	vst.idx.msk $0xffff, v15  }
0x169: {  	[tilespmem:v21+s20+$0x0] =	vst.idx.msk $0xffff, v24  }
0x16a: {  	[tilespmem:v23+s20+$0x0] =	vst.idx.msk $0xffff, v26  }
0x16b: {  	[tilespmem:v25+s20+$0x0] =	vst.idx.msk $0xffff, v20  }
0x16c: {  	s0 =	sor.u32 s30, s29;
	[tilespmem:v13+s20+$0x0] =	vst.idx.msk $0xffff, v22  }
0x16d: {  	v14 =	vld [tilespmem:s0+$0x800]  }
.Ltmp5:
0x16e: {  	v12 =	vld [tilespmem:s0+$0xC00];
	(pc) =	sbr.rel @p0 .LBB2_12-.Ltmp5, $4  }
0x16f: {  	v11 =	vld [tilespmem:s0+$0x1000]  }
0x170: {  	v19 =	vor.u32 v0, v10;
	v17 =	vld [tilespmem:s0+$0x0]  }
0x171: {  	v18 =	vor.u32 v2, v10;
	v15 =	vld [tilespmem:s0+$0x400]  }
0x172: {  	v16 =	vor.u32 v3, v10;
	v13 =	vld [tilespmem:s0+$0x1400]  }
0x173: {  	_ =	sdelay $0x2  }
0x174: {  	v20 =	vld [tilespmem:s0+$0x1800];
	v22 =	vor.u32 v5, v10  }
0x175: {  	v21 =	vld [tilespmem:s28+$0x0];
	[tilespmem:v19+s20+$0x0] =	vst.idx.msk $0xffff, v17;
	v17 =	vor.u32 v6, v10  }
0x176: {  	[tilespmem:v18+s20+$0x0] =	vst.idx.msk $0xffff, v15;
	v15 =	vor.u32 v7, v10  }
0x177: {  	v10 =	vor.u32 v8, v10;
	[tilespmem:v16+s20+$0x0] =	vst.idx.msk $0xffff, v14  }
0x178: {  	[tilespmem:v9+s20+$0x0] =	vst.idx.msk $0xffff, v12  }
0x179: {  	[tilespmem:v22+s20+$0x0] =	vst.idx.msk $0xffff, v11  }
0x17a: {  	[tilespmem:v17+s20+$0x0] =	vst.idx.msk $0xffff, v13  }
0x17b: {  	s26 =	simm.s32 $0x0;
	[tilespmem:v15+s20+$0x0] =	vst.idx.msk $0xffff, v20  }
0x17c: {  	s1 =	sand.u32 $0x6, s26;
	[tilespmem:v10+s20+$0x0] =	vst.idx.msk $0xffff, v21  }
0x17d: {  	[hbm4b:s15+s4] =	stream.linear.scatter [tilespmem:s20], [sflag:$0x3], $0x4000, $0x38;
	[tilespmem:$0x10000] =	vst v63  }
0x17e: {  	s31 =	simm.s32 $0x0;
	s9 =	sshll.u32 s1, $0x7;
	_ =	swait.ge [sflag:s21], $0x4000  }
0x17f: {  	s7 =	simm.s32 $0x0;
	s8 =	simm.s32 $0x0;
	v9 =	vmov s31;
	v10 =	vmov s9;
	[sflag:s21] =	ssyncset.done $0x0  }
0x180: {  	s28 =	sand.u32 $0x2000, s8;
	s7 =	sand.u32 $0x380, s7;
	v11 =	vshll.u32 v9, $0xA;
	v10 =	vshrl.u32 v10, $0x7;
	[sflag:s21] =	ssyncadd.s32 $0xFFFFC000  }
0x181: {  	s0 =	sor.u32 s7, s28;
	v9 =	vshll.u32 v9, $0x7;
	v11 =	vand.u32 $0x2000, v11;
	v10 =	vshll.u32 v10, v1;
	_ =	swait.ge [sflag:s24], $0x4000  }
0x182: {  	s29 =	sshll.u32 s1, $0x4;
	s0 =	sor.u32 $0x4000, s0;
	v9 =	vand.u32 $0x380, v9;
	v12 =	vor.u32 v11, v10;
	[sflag:s24] =	ssyncset.done $0x0  }
0x183: {  	s30 =	sor.u32 s29, s0;
	v10 =	vbroadcast v10, $0x0;
	v12 =	vor.u32 v9, v12;
	[sflag:s24] =	ssyncadd.s32 $0xFFFFC000  }
0x184: {  	s7 =	sor.u32 s8, s7;
	v12 =	vbroadcast v12, $0x0;
	v13 =	vld [tilespmem:s30+$0x400]  }
0x185: {  	s9 =	sor.u32 s29, s7;
	v10 =	vor.u32 v11, v10;
	v14 =	vld [tilespmem:s30+$0x800]  }
0x186: {  	s9 =	sor.u32 $0x1C00, s9;
	v10 =	vor.u32 v9, v10;
	v12 =	vor.u32 v0, v12;
	v16 =	vld [tilespmem:s30+$0x0]  }
0x187: {  	v17 =	vor.u32 v2, v10;
	v15 =	vld [tilespmem:s9+$0x4000]  }
0x188: {  	v19 =	vor.u32 v3, v10;
	v18 =	vld [tilespmem:s30+$0xC00]  }
0x189: {  	v21 =	vor.u32 v4, v10;
	v20 =	vld [tilespmem:s30+$0x1400]  }
0x18a: {  	v23 =	vor.u32 v5, v10;
	v24 =	vld [tilespmem:s30+$0x1000]  }
0x18b: {  	v25 =	vor.u32 v6, v10;
	v22 =	vld [tilespmem:s30+$0x1800];
	[tilespmem:v12+s22+$0x0] =	vst.idx.msk $0xffff, v16  }
0x18c: {  	v12 =	vor.u32 v7, v10;
	[tilespmem:v17+s22+$0x0] =	vst.idx.msk $0xffff, v13  }
0x18d: {  	v10 =	vor.u32 v8, v10;
	[tilespmem:v19+s22+$0x0] =	vst.idx.msk $0xffff, v14  }
0x18e: {  	s1 =	sor.u32 $0x1, s1;
	[tilespmem:v21+s22+$0x0] =	vst.idx.msk $0xffff, v18  }
0x18f: {  	s31 =	sshll.u32 s1, $0x7;
	[tilespmem:v23+s22+$0x0] =	vst.idx.msk $0xffff, v24  }
0x190: {  	v13 =	vmov s31;
	[tilespmem:v25+s22+$0x0] =	vst.idx.msk $0xffff, v20  }
0x191: {  	[tilespmem:v12+s22+$0x0] =	vst.idx.msk $0xffff, v22;
	v12 =	vshrl.u32 v13, $0x7  }
0x192: {  	s1 =	sshll.u32 s1, $0x4;
	[tilespmem:v10+s22+$0x0] =	vst.idx.msk $0xffff, v15;
	v10 =	vshll.u32 v12, v1  }
0x193: {  	s0 =	sor.u32 s1, s0;
	v13 =	vbroadcast v10, $0x0  }
0x194: {  	v12 =	vld [tilespmem:s0+$0xC00]  }
0x195: {  	v10 =	vld [tilespmem:s0+$0x1800];
	v11 =	vadd.s32 v11, v13  }
0x196: {  	v16 =	vld [tilespmem:s0+$0x400];
	v11 =	vor.u32 v9, v11  }
0x197: {  	v21 =	vld [tilespmem:s0+$0x0];
	v22 =	vor.u32 v0, v11  }
0x198: {  	v15 =	vld [tilespmem:s0+$0x800];
	v20 =	vor.u32 v2, v11  }
0x199: {  	s1 =	sor.u32 s1, s7;
	v14 =	vld [tilespmem:s0+$0x1000];
	v19 =	vor.u32 v3, v11  }
0x19a: {  	v13 =	vld [tilespmem:s0+$0x1400];
	s0 =	sor.u32 $0x1C00, s1;
	v9 =	vor.u32 v6, v11;
	v18 =	vor.u32 v4, v11;
	v17 =	vor.u32 v5, v11  }
.LBB2_14:
0x19b: {  	s26 =	sadd.s32 $0x2, s26;
	v23 =	vld [tilespmem:s0+$0x4000]  }
0x19c: {  	s0 =	sshrl.u32 s26, $0x3;
	s1 =	sand.u32 $0x6, s26;
	s7 =	sshll.u32 s26, $0x4;
	[tilespmem:v22+s22+$0x0] =	vst.idx.msk $0xffff, v21;
	v21 =	vor.u32 v7, v11  }
0x19d: {  	v11 =	vor.u32 v8, v11;
	v22 =	vmov s0;
	s0 =	sshll.u32 s0, $0xA;
	s8 =	sshll.u32 s1, $0x7;
	s28 =	sor.u32 $0x1, s1;
	[tilespmem:v20+s22+$0x0] =	vst.idx.msk $0xffff, v16  }
0x19e: {  	s7 =	sand.u32 $0x380, s7;
	s9 =	sand.u32 $0x2000, s0;
	v16 =	vmov s8;
	v20 =	vshll.u32 v22, $0xA;
	v22 =	vshll.u32 v22, $0x7;
	s8 =	sshll.u32 s28, $0x7;
	[tilespmem:v19+s22+$0x0] =	vst.idx.msk $0xffff, v15  }
0x19f: {  	p0 =	slt.u32 s26, $0x7E;
	s29 =	sor.u32 s0, s7;
	s9 =	sor.u32 s7, s9;
	v15 =	vshrl.u32 v16, $0x7;
	v16 =	vmov s8;
	[tilespmem:v18+s22+$0x0] =	vst.idx.msk $0xffff, v12  }
0x1a0: {  	s1 =	sshll.u32 s1, $0x4;
	v12 =	vand.u32 $0x2000, v20;
	s0 =	sor.u32 $0x4000, s9;
	v15 =	vshll.u32 v15, v1;
	v16 =	vshrl.u32 v16, $0x7;
	[tilespmem:v17+s22+$0x0] =	vst.idx.msk $0xffff, v14  }
0x1a1: {  	v14 =	vand.u32 $0x380, v22;
	s7 =	sor.u32 s1, s0;
	s1 =	sor.u32 s1, s29;
	v17 =	vor.u32 v12, v15;
	v15 =	vbroadcast v15, $0x0;
	[tilespmem:v9+s22+$0x0] =	vst.idx.msk $0xffff, v13  }
0x1a2: {  	v13 =	vshll.u32 v16, v1;
	v9 =	vor.u32 v14, v17;
	[tilespmem:v21+s22+$0x0] =	vst.idx.msk $0xffff, v10  }
0x1a3: {  	v13 =	vbroadcast v13, $0x0;
	v9 =	vbroadcast v9, $0x0;
	v10 =	vor.u32 v12, v15;
	[tilespmem:v11+s22+$0x0] =	vst.idx.msk $0xffff, v23  }
0x1a4: {  	v15 =	vld [tilespmem:s7+$0x400]  }
0x1a5: {  	s1 =	sor.u32 $0x1C00, s1;
	v10 =	vor.u32 v14, v10;
	v16 =	vld [tilespmem:s7+$0x800];
	v17 =	vor.u32 v0, v9;
	v9 =	vadd.s32 v12, v13  }
0x1a6: {  	v13 =	vor.u32 v2, v10;
	v12 =	vld [tilespmem:s1+$0x4000];
	v11 =	vor.u32 v14, v9  }
0x1a7: {  	v18 =	vor.u32 v3, v10;
	v14 =	vld [tilespmem:s7+$0x0];
	v9 =	vor.u32 v6, v11  }
0x1a8: {  	v20 =	vor.u32 v4, v10;
	v19 =	vld [tilespmem:s7+$0xC00]  }
0x1a9: {  	v22 =	vor.u32 v5, v10;
	v21 =	vld [tilespmem:s7+$0x1400]  }
0x1aa: {  	v24 =	vor.u32 v6, v10;
	v23 =	vld [tilespmem:s7+$0x1800]  }
0x1ab: {  	v26 =	vor.u32 v7, v10;
	v25 =	vld [tilespmem:s7+$0x1000]  }
0x1ac: {  	[tilespmem:v17+s22+$0x0] =	vst.idx.msk $0xffff, v14  }
0x1ad: {  	[tilespmem:v13+s22+$0x0] =	vst.idx.msk $0xffff, v15  }
0x1ae: {  	v10 =	vor.u32 v8, v10;
	[tilespmem:v18+s22+$0x0] =	vst.idx.msk $0xffff, v16  }
0x1af: {  	[tilespmem:v20+s22+$0x0] =	vst.idx.msk $0xffff, v19  }
0x1b0: {  	[tilespmem:v22+s22+$0x0] =	vst.idx.msk $0xffff, v25  }
0x1b1: {  	[tilespmem:v24+s22+$0x0] =	vst.idx.msk $0xffff, v21  }
0x1b2: {  	s1 =	sshll.u32 s28, $0x4;
	[tilespmem:v26+s22+$0x0] =	vst.idx.msk $0xffff, v23  }
0x1b3: {  	s0 =	sor.u32 s1, s0;
	s1 =	sor.u32 s1, s29;
	[tilespmem:v10+s22+$0x0] =	vst.idx.msk $0xffff, v12  }
0x1b4: {  	v12 =	vld [tilespmem:s0+$0xC00]  }
0x1b5: {  	v10 =	vld [tilespmem:s0+$0x1800]  }
.Ltmp6:
0x1b6: {  	v22 =	vor.u32 v0, v11;
	v16 =	vld [tilespmem:s0+$0x400];
	(pc) =	sbr.rel @p0 .LBB2_14-.Ltmp6, $4  }
0x1b7: {  	v20 =	vor.u32 v2, v11;
	v21 =	vld [tilespmem:s0+$0x0]  }
0x1b8: {  	v19 =	vor.u32 v3, v11;
	v15 =	vld [tilespmem:s0+$0x800]  }
0x1b9: {  	v18 =	vor.u32 v4, v11;
	v13 =	vld [tilespmem:s0+$0x1400]  }
0x1ba: {  	v17 =	vor.u32 v5, v11;
	v14 =	vld [tilespmem:s0+$0x1000];
	s0 =	sor.u32 $0x1C00, s1  }
0x1bb: {  	_ =	sdelay $0x3  }
0x1bc: {  	v23 =	vld [tilespmem:s0+$0x4000];
	[tilespmem:v22+s22+$0x0] =	vst.idx.msk $0xffff, v21  }
0x1bd: {  	v63 =	vor.u32 v7, v11;
	[tilespmem:v20+s22+$0x0] =	vst.idx.msk $0xffff, v16  }
0x1be: {  	v11 =	vor.u32 v8, v11;
	[tilespmem:v19+s22+$0x0] =	vst.idx.msk $0xffff, v15  }
0x1bf: {  	[tilespmem:v18+s22+$0x0] =	vst.idx.msk $0xffff, v12  }
0x1c0: {  	[tilespmem:v17+s22+$0x0] =	vst.idx.msk $0xffff, v14  }
0x1c1: {  	[tilespmem:v9+s22+$0x0] =	vst.idx.msk $0xffff, v13  }
0x1c2: {  	[tilespmem:v63+s22+$0x0] =	vst.idx.msk $0xffff, v10  }
0x1c3: {  	s25 =	sadd.s32 $0x1, s25;
	[tilespmem:v11+s22+$0x0] =	vst.idx.msk $0xffff, v23  }
0x1c4: {  	[hbm4b:s16+s4] =	stream.linear.scatter [tilespmem:s22], [sflag:$0x4], $0x4000, $0x38;
	[tilespmem:$0x10000] =	vst v63  }
0x1c5: {  	p0 =	sne.s32 s25, s17;
	_ =	swait.ge [sflag:s23], $0x4000  }
.Ltmp7:
0x1c6: {  	[sflag:s23] =	ssyncset.done $0x0;
	(pc) =	sbr.rel @p0 .LBB2_1-.Ltmp7, $4  }
0x1c7: {  	[sflag:s23] =	ssyncadd.s32 $0xFFFFC000  }
0x1c8: {  	_ =	swait.ge [sflag:s24], $0x4000  }
0x1c9: {  	[sflag:s24] =	ssyncset.done $0x0  }
0x1ca: {  	[sflag:s24] =	ssyncadd.s32 $0xFFFFC000  }
0x1cb: {  	_ =	sfence.sel $0x180000  }
0x1cc: {  	[bflag:$0x0] =	sbarrier.arrive $0xFFFF  }
0x1cd: {  	_ =	strace $0x90000047  }
0x1ce: {  	s0 =	stileid.u32;
	[bflag:$0x2] =	sbarrier.arrive $0xFFFF  }
0x1cf: {  	p0 =	sne.s32 s0, $0x0;
	s0 =	rddreg [dreg:$0x2]  }
0x1d0: {  	s0 =	sadd.s32 @!p0 $0x100000, s0  }
0x1d1: {  	[sflag:s0] =	ssyncadd.tile.s32 @!p0 $0x1;
	_ =	shalt  }
.Lfunc_end2:
_tile_overlayer_lowered:
.L_overlay_start_2:
0x1d2: {  	(tag) =	ssettag $0x2  }
0x1d3: {  	s0 =	rddreg [dreg:$0x0];
	s2 =	stileid.u32  }
0x1d4: {  	s1 =	rddreg [dreg:$0x1];
	p0 =	sne.s32 s2, $0x0  }
0x1d5: {  	s3 =	rddreg [dreg:$0x2];
	[bflag:$0x3] =	sbarrier.arrive $0xFFFF;
	s2 =	simm.s32 @!p0 $0x1C05  }
0x1d6: {  	[timem:s3], [sflag:s2] =	dma.local @!p0 [hbm:s0], s1  }
0x1d7: {  	s0 =	simm.s32 @!p0 $0x5  }
0x1d8: {  	_ =	swait.ge @!p0 [sflag:s0], s1  }
0x1d9: {  	s1 =	ssub.s32 @!p0 $0x0, s1;
	[sflag:s0] =	ssyncset.done @!p0 $0x0  }
0x1da: {  	[sflag:s0] =	ssyncadd.s32 @!p0 s1  }
0x1db: {  	[bflag:$0x3] =	sbarrier.arrive $0xFFFF  }
0x1dc: {  	_ =	shalt  }

</sc_bundles>
